<compile_context>
chip_gen: v7x
topology: tpu7x:2x2x1
jax: 0.10.2.dev20260603
libtpu: 0.0.44.dev20260713+nightly
codegen_flags: <defaults>
</compile_context>

<pallas_src>
import functools

import jax
import jax.numpy as jnp
from jax import lax
from jax.experimental import pallas as pl
from jax.experimental.pallas import tpu as pltpu
from jax.experimental.pallas import tpu_sc as plsc

B_ROWS = 16384
SEQ = 200
D = 128
B_TOTAL = B_ROWS * SEQ
NUM_WORKERS = 32
B_PER_W = B_TOTAL // NUM_WORKERS
C = 128
NCH = B_PER_W // C
IDX_SUP = 8
ROWS_PER_W = B_PER_W // C // IDX_SUP
NJ16 = NCH // (2 * IDX_SUP)


def _sc_body(idx_hbm, table_hbm, out_hbm, table_v, idx_v, out_v,
             sem_i0, sem_i1, sem_g0, sem_g1, sem_o0, sem_o1):
    sem_i = (sem_i0, sem_i1)
    sem_g = (sem_g0, sem_g1)
    sem_o = (sem_o0, sem_o1)
    cid = lax.axis_index("c")
    sid = lax.axis_index("s")
    wid = sid * 2 + cid
    base = wid * B_PER_W
    idx_row0 = wid * (B_PER_W // C)

    @pl.when(sid == 0)
    def _():
        pltpu.sync_copy(table_hbm, table_v)

    plsc.subcore_barrier()

    def idx_copy(m, slot):
        row = pl.multiple_of(idx_row0 + m * IDX_SUP, IDX_SUP)
        return pltpu.make_async_copy(
            idx_hbm.at[pl.ds(row, IDX_SUP)], idx_v.at[slot], sem_i[slot])

    def gather_copy(j, islot, irow, s, h):
        del j
        return pltpu.make_async_copy(
            table_v.at[idx_v.at[islot, irow]],
            out_v.at[s, pl.ds(h * C, C)], sem_g[h])

    def out_copy(k, s):
        return pltpu.make_async_copy(
            out_v.at[s], out_hbm.at[pl.ds(base + k * 2 * C, 2 * C)],
            sem_o[s])

    idx_copy(0, 0).start()
    idx_copy(1, 1).start()
    idx_copy(0, 0).wait()
    gather_copy(0, 0, 0, 0, 0).start()

    def outer(j16, carry):
        for mm in (0, 1):
            m = j16 * 2 + mm
            for b in range(IDX_SUP):
                j = m * IDX_SUP + b
                s = (b // 2) % 2
                h = b % 2
                s1 = ((b + 1) // 2) % 2
                h1 = (b + 1) % 2
                islot1 = mm if b < IDX_SUP - 1 else 1 - mm
                irow1 = (b + 1) % IDX_SUP

                def fire_next():
                    if b == IDX_SUP - 1:
                        idx_copy(m + 1, islot1).wait()
                    if h1 == 0:
                        out_copy((j + 1) // 2 - 2, s1).wait()
                    gather_copy(j + 1, islot1, irow1, s1, h1).start()

                if mm == 0 and b == 1:
                    @pl.when(j16 > 0)
                    def _():
                        fire_next()

                    @pl.when(j16 == 0)
                    def _():
                        gather_copy(j + 1, islot1, irow1, s1, h1).start()
                elif mm == 1 and b == IDX_SUP - 1:
                    @pl.when(j16 < NJ16 - 1)
                    def _():
                        fire_next()
                else:
                    fire_next()

                gather_copy(j, mm, b, s, h).wait()

                if h == 1:
                    out_copy(j // 2, s).start()
                if b == IDX_SUP - 1:
                    @pl.when(j16 < NJ16 - 1)
                    def _():
                        idx_copy(m + 2, mm).start()
        return carry

    lax.fori_loop(0, NJ16, outer, 0)
    out_copy(NCH // 2 - 2, 0).wait()
    out_copy(NCH // 2 - 1, 1).wait()


def kernel(group_idx, weight):
    idx = group_idx.reshape(B_TOTAL // C, C)
    mesh = plsc.VectorSubcoreMesh(core_axis_name="c", subcore_axis_name="s")
    run = functools.partial(
        pl.kernel,
        mesh=mesh,
        out_type=jax.ShapeDtypeStruct((B_TOTAL, D), jnp.float32),
        scratch_types=[
            pltpu.VMEM_SHARED((17, D), jnp.float32),
            pltpu.VMEM((2, IDX_SUP, C), jnp.int32),
            pltpu.VMEM((2, 2 * C, D), jnp.float32),
            pltpu.SemaphoreType.DMA,
            pltpu.SemaphoreType.DMA,
            pltpu.SemaphoreType.DMA,
            pltpu.SemaphoreType.DMA,
            pltpu.SemaphoreType.DMA,
            pltpu.SemaphoreType.DMA,
        ],
    )(_sc_body)
    out = run(idx, weight)
    return out.reshape(B_ROWS, SEQ, D)

# --- scband reference (transcript-rebuilt; emitter-appended) ---
"""Pipeline reference for scband-group-embedding-86629490360737 (READ-ONLY COPY).

The authoritative reference and input builder live on the scoring server;
editing this copy changes nothing except your own understanding.
"""

import jax, jax.numpy as jnp
import numpy as np

ALL_17_GROUPS = ['p1', 'p2', 'pm', 'pg', 'cm', 'pmm', 'pmg', 'pgg', 'cmm', 'p4', 'p4m', 'p4g', 'p3', 'p3m1', 'p31m', 'p6', 'p6m']
LATTICE_INFO = {'p1': 'Oblique', 'p2': 'Oblique', 'pm': 'Rectangular', 'pg': 'Rectangular', 'cm': 'Rectangular', 'pmm': 'Rectangular', 'pmg': 'Rectangular', 'pgg': 'Rectangular', 'cmm': 'Rectangular', 'p4': 'Square', 'p4m': 'Square', 'p4g': 'Square', 'p3': 'Hexagonal', 'p3m1': 'Hexagonal', 'p31m': 'Hexagonal', 'p6': 'Hexagonal', 'p6m': 'Hexagonal'}
LATTICE_ORDER = ['Oblique', 'Rectangular', 'Square', 'Hexagonal']


def _structured_weight(key, embedding_dim=128):
    weight = jax.random.normal(key, (17, embedding_dim), dtype=jnp.float32)
    enc = np.zeros((17, 4), dtype=np.float32)
    for i, g in enumerate(ALL_17_GROUPS):
        enc[i, LATTICE_ORDER.index(LATTICE_INFO[g])] = 1.0
    weight = weight.at[:, :4].set(jnp.asarray(enc))
    return weight


def setup_inputs(seed: int = 0) -> dict:
    key = jax.random.key(seed)
    k1, k2 = jax.random.split(key)
    group_idx = jax.random.randint(k1, (16384, 200), 0, 17)
    weight = _structured_weight(k2, 128)
    return {"group_idx": group_idx, "weight": weight}


def reference(group_idx, weight):
    # nn.Embedding forward: gather rows of weight by index
    return jnp.take(weight, group_idx, axis=0)

if __name__ == "__main__":
    import jax
    _d = setup_inputs()
    print(jax.jit(kernel)(*tuple(_d.values())))

</pallas_src>

<mosaic_0001>
#map = affine_map<(d0, d1) -> (0, 0)>
module attributes {stable_mosaic.version = 14 : i64} {
  func.func @_sc_body(%arg0: i32, %arg1: i32, %arg2: memref<25600x128xi32, #tpu.memory_space<hbm>>, %arg3: memref<17x128xf32, #tpu.memory_space<hbm>>, %arg4: memref<3276800x128xf32, #tpu.memory_space<hbm>>, %arg5: memref<17x128xf32, #tpu.memory_space<vmem_shared>>, %arg6: memref<2x8x128xi32, #tpu.memory_space<vmem>>, %arg7: memref<2x256x128xf32, #tpu.memory_space<vmem>>, %arg8: memref<!tpu.dma_semaphore, #tpu.memory_space<semaphore_mem>>, %arg9: memref<!tpu.dma_semaphore, #tpu.memory_space<semaphore_mem>>, %arg10: memref<!tpu.dma_semaphore, #tpu.memory_space<semaphore_mem>>, %arg11: memref<!tpu.dma_semaphore, #tpu.memory_space<semaphore_mem>>, %arg12: memref<!tpu.dma_semaphore, #tpu.memory_space<semaphore_mem>>, %arg13: memref<!tpu.dma_semaphore, #tpu.memory_space<semaphore_mem>>) attributes {dimension_semantics = [#tpu.dimension_semantics<core_parallel>, #tpu.dimension_semantics<subcore_parallel>], iteration_bounds = array<i64: 2, 16>, scalar_prefetch = 0 : i64, scratch_operands = 9 : i64, tpu.core_type = #tpu.core_type<sc_vector_subcore>, window_params = [{transform_indices = #map}, {transform_indices = #map}, {transform_indices = #map}]} {
    %mul3A = arith.constant 2 : i32
    %mul3A_0 = arith.muli %arg1, %mul3A : i32
    %add3A = arith.addi %mul3A_0, %arg0 : i32
    %mul3A_1 = arith.constant 102400 : i32
    %mul3A_2 = arith.muli %add3A, %mul3A_1 : i32
    %mul3A_3 = arith.constant 800 : i32
    %mul3A_4 = arith.muli %add3A, %mul3A_3 : i32
    %eq3A = arith.constant 0 : i32
    %eq3A_5 = arith.cmpi eq, %arg1, %eq3A : i32
    %convert_element_type3A = arith.extui %eq3A_5 : i1 to i32
    %cond3A = arith.constant 0 : i32
    %cond3A_6 = arith.cmpi ne, %convert_element_type3A, %cond3A : i32
    scf.if %cond3A_6 {
      "tpu.region"() ({
        %run_scoped3A = tpu.sem_alloc : memref<!tpu.dma_semaphore, #tpu.memory_space<semaphore_mem>>
        tpu.enqueue_dma source(%arg3 : memref<17x128xf32, #tpu.memory_space<hbm>>) target(%arg5 : memref<17x128xf32, #tpu.memory_space<vmem_shared>>) target_semaphore(%run_scoped3A : memref<!tpu.dma_semaphore, #tpu.memory_space<semaphore_mem>>)
        tpu.wait_dma2 semaphore(%run_scoped3A : memref<!tpu.dma_semaphore, #tpu.memory_space<semaphore_mem>>) src(%arg3 : memref<17x128xf32, #tpu.memory_space<hbm>>) dst(%arg5 : memref<17x128xf32, #tpu.memory_space<vmem_shared>>)
        tpu.yield
      }) : () -> ()
    } else {
    }
    %barrier3A = arith.constant 0 : index
    tpu.barrier barrier_id(%barrier3A)
    %add3A_7 = arith.constant 0 : i32
    %add3A_8 = arith.addi %mul3A_4, %add3A_7 : i32
    %multiple_of3A = tpu.assume_multiple %add3A_8, 8 : i32
    %dma_start3A = arith.constant 0 : i32
    %dma_start3A_9 = arith.constant 0 : i32
    %dma_start3A_10 = arith.constant 0 : i32
    %dma_start3A_11 = tpu.memref_slice %arg6[%dma_start3A, %dma_start3A_9, %dma_start3A_10] : memref<2x8x128xi32, #tpu.memory_space<vmem>> -> memref<1x8x128xi32, #tpu.memory_space<vmem>>
    %dma_start3A_12 = tpu.memref_squeeze %dma_start3A_11 : memref<1x8x128xi32, #tpu.memory_space<vmem>> -> memref<8x128xi32, #tpu.memory_space<vmem>>
    %dma_start3A_13 = arith.constant 0 : i32
    %dma_start3A_14 = tpu.memref_slice %arg2[%multiple_of3A, %dma_start3A_13] : memref<25600x128xi32, #tpu.memory_space<hbm>> -> memref<8x128xi32, #tpu.memory_space<hbm>>
    %dma_start3A_15 = arith.constant 0 : i32
    %dma_start3A_16 = arith.constant 0 : i32
    %dma_start3A_17 = tpu.memref_slice %arg6[%dma_start3A, %dma_start3A_15, %dma_start3A_16] : memref<2x8x128xi32, #tpu.memory_space<vmem>> -> memref<1x8x128xi32, #tpu.memory_space<vmem>>
    %dma_start3A_18 = tpu.memref_squeeze %dma_start3A_17 : memref<1x8x128xi32, #tpu.memory_space<vmem>> -> memref<8x128xi32, #tpu.memory_space<vmem>>
    %dma_start3A_19 = arith.constant 0 : i32
    %dma_start3A_20 = tpu.memref_slice %arg2[%multiple_of3A, %dma_start3A_19] : memref<25600x128xi32, #tpu.memory_space<hbm>> -> memref<8x128xi32, #tpu.memory_space<hbm>>
    tpu.enqueue_dma source(%dma_start3A_20 : memref<8x128xi32, #tpu.memory_space<hbm>>) target(%dma_start3A_18 : memref<8x128xi32, #tpu.memory_space<vmem>>) target_semaphore(%arg8 : memref<!tpu.dma_semaphore, #tpu.memory_space<semaphore_mem>>)
    %add3A_21 = arith.constant 8 : i32
    %add3A_22 = arith.addi %mul3A_4, %add3A_21 : i32
    %multiple_of3A_23 = tpu.assume_multiple %add3A_22, 8 : i32
    %dma_start3A_24 = arith.constant 1 : i32
    %dma_start3A_25 = arith.constant 0 : i32
    %dma_start3A_26 = arith.constant 0 : i32
    %dma_start3A_27 = tpu.memref_slice %arg6[%dma_start3A_24, %dma_start3A_25, %dma_start3A_26] : memref<2x8x128xi32, #tpu.memory_space<vmem>> -> memref<1x8x128xi32, #tpu.memory_space<vmem>>
    %dma_start3A_28 = tpu.memref_squeeze %dma_start3A_27 : memref<1x8x128xi32, #tpu.memory_space<vmem>> -> memref<8x128xi32, #tpu.memory_space<vmem>>
    %dma_start3A_29 = arith.constant 0 : i32
    %dma_start3A_30 = tpu.memref_slice %arg2[%multiple_of3A_23, %dma_start3A_29] : memref<25600x128xi32, #tpu.memory_space<hbm>> -> memref<8x128xi32, #tpu.memory_space<hbm>>
    %dma_start3A_31 = arith.constant 0 : i32
    %dma_start3A_32 = arith.constant 0 : i32
    %dma_start3A_33 = tpu.memref_slice %arg6[%dma_start3A_24, %dma_start3A_31, %dma_start3A_32] : memref<2x8x128xi32, #tpu.memory_space<vmem>> -> memref<1x8x128xi32, #tpu.memory_space<vmem>>
    %dma_start3A_34 = tpu.memref_squeeze %dma_start3A_33 : memref<1x8x128xi32, #tpu.memory_space<vmem>> -> memref<8x128xi32, #tpu.memory_space<vmem>>
    %dma_start3A_35 = arith.constant 0 : i32
    %dma_start3A_36 = tpu.memref_slice %arg2[%multiple_of3A_23, %dma_start3A_35] : memref<25600x128xi32, #tpu.memory_space<hbm>> -> memref<8x128xi32, #tpu.memory_space<hbm>>
    tpu.enqueue_dma source(%dma_start3A_36 : memref<8x128xi32, #tpu.memory_space<hbm>>) target(%dma_start3A_34 : memref<8x128xi32, #tpu.memory_space<vmem>>) target_semaphore(%arg9 : memref<!tpu.dma_semaphore, #tpu.memory_space<semaphore_mem>>)
    %add3A_37 = arith.constant 0 : i32
    %add3A_38 = arith.addi %mul3A_4, %add3A_37 : i32
    %multiple_of3A_39 = tpu.assume_multiple %add3A_38, 8 : i32
    %dma_wait3A = arith.constant 0 : i32
    %dma_wait3A_40 = arith.constant 0 : i32
    %dma_wait3A_41 = arith.constant 0 : i32
    %dma_wait3A_42 = tpu.memref_slice %arg6[%dma_wait3A, %dma_wait3A_40, %dma_wait3A_41] : memref<2x8x128xi32, #tpu.memory_space<vmem>> -> memref<1x8x128xi32, #tpu.memory_space<vmem>>
    %dma_wait3A_43 = tpu.memref_squeeze %dma_wait3A_42 : memref<1x8x128xi32, #tpu.memory_space<vmem>> -> memref<8x128xi32, #tpu.memory_space<vmem>>
    %dma_wait3A_44 = arith.constant 0 : i32
    %dma_wait3A_45 = tpu.memref_slice %arg2[%multiple_of3A_39, %dma_wait3A_44] : memref<25600x128xi32, #tpu.memory_space<hbm>> -> memref<8x128xi32, #tpu.memory_space<hbm>>
    %dma_wait3A_46 = arith.constant 0 : i32
    %dma_wait3A_47 = arith.constant 0 : i32
    %dma_wait3A_48 = tpu.memref_slice %arg6[%dma_wait3A, %dma_wait3A_46, %dma_wait3A_47] : memref<2x8x128xi32, #tpu.memory_space<vmem>> -> memref<1x8x128xi32, #tpu.memory_space<vmem>>
    %dma_wait3A_49 = tpu.memref_squeeze %dma_wait3A_48 : memref<1x8x128xi32, #tpu.memory_space<vmem>> -> memref<8x128xi32, #tpu.memory_space<vmem>>
    %dma_wait3A_50 = arith.constant 0 : i32
    %dma_wait3A_51 = tpu.memref_slice %arg2[%multiple_of3A_39, %dma_wait3A_50] : memref<25600x128xi32, #tpu.memory_space<hbm>> -> memref<8x128xi32, #tpu.memory_space<hbm>>
    tpu.wait_dma2 semaphore(%arg8 : memref<!tpu.dma_semaphore, #tpu.memory_space<semaphore_mem>>) src(%dma_wait3A_51 : memref<8x128xi32, #tpu.memory_space<hbm>>) dst(%dma_wait3A_49 : memref<8x128xi32, #tpu.memory_space<vmem>>)
    %dma_start3A_52 = arith.constant 0 : i32
    %dma_start3A_53 = arith.constant 0 : i32
    %dma_start3A_54 = arith.constant 0 : i32
    %dma_start3A_55 = arith.constant 0 : i32
    %dma_start3A_56 = arith.constant 0 : i32
    %dma_start3A_57 = tpu.memref_slice %arg7[%dma_start3A_54, %dma_start3A_55, %dma_start3A_56] : memref<2x256x128xf32, #tpu.memory_space<vmem>> -> memref<1x128x128xf32, #tpu.memory_space<vmem>>
    %dma_start3A_58 = tpu.memref_squeeze %dma_start3A_57 : memref<1x128x128xf32, #tpu.memory_space<vmem>> -> memref<128x128xf32, #tpu.memory_space<vmem>>
    %dma_start3A_59 = arith.constant 0 : i32
    %dma_start3A_60 = tpu.memref_slice %arg6[%dma_start3A_52, %dma_start3A_53, %dma_start3A_59] : memref<2x8x128xi32, #tpu.memory_space<vmem>> -> memref<1x1x128xi32, #tpu.memory_space<vmem>>
    %dma_start3A_61 = tpu.memref_squeeze %dma_start3A_60 : memref<1x1x128xi32, #tpu.memory_space<vmem>> -> memref<128xi32, #tpu.memory_space<vmem>>
    %dma_start3A_62 = arith.constant 0 : i32
    %dma_start3A_63 = arith.constant 0 : i32
    %dma_start3A_64 = tpu.memref_slice %arg5[%dma_start3A_62, %dma_start3A_63] : memref<17x128xf32, #tpu.memory_space<vmem_shared>> -> memref<17x128xf32, #tpu.memory_space<vmem_shared>>
    tpu.enqueue_indirect_dma source(%dma_start3A_64 : memref<17x128xf32, #tpu.memory_space<vmem_shared>>) target(%dma_start3A_58 : memref<128x128xf32, #tpu.memory_space<vmem>>) offsets(%dma_start3A_61 : memref<128xi32, #tpu.memory_space<vmem>>) semaphore(%arg10 : memref<!tpu.dma_semaphore, #tpu.memory_space<semaphore_mem>>)
    %scan3A = arith.constant 0 : i32
    %scan3A_65 = arith.constant 0 : i32
    %scan3A_66 = arith.constant 50 : i32
    %scan3A_67 = arith.addi %scan3A_65, %scan3A_66 : i32
    %scan3A_68 = arith.constant 1 : i32
    scf.for %scan3A_100 = %scan3A_65 to %scan3A_67 step %scan3A_68  : i32 {
      %mul3A_101 = arith.constant 2 : i32
      %mul3A_102 = arith.muli %scan3A_100, %mul3A_101 : i32
      %add3A_103 = arith.constant 0 : i32
      %add3A_104 = arith.addi %mul3A_102, %add3A_103 : i32
      %mul3A_105 = arith.constant 8 : i32
      %mul3A_106 = arith.muli %add3A_104, %mul3A_105 : i32
      %add3A_107 = arith.constant 0 : i32
      %add3A_108 = arith.addi %mul3A_106, %add3A_107 : i32
      %add3A_109 = arith.constant 1 : i32
      %add3A_110 = arith.addi %add3A_108, %add3A_109 : i32
      %dma_start3A_111 = arith.constant 0 : i32
      %dma_start3A_112 = arith.constant 1 : i32
      %dma_start3A_113 = arith.constant 0 : i32
      %dma_start3A_114 = arith.constant 128 : i32
      %dma_start3A_115 = arith.constant 0 : i32
      %dma_start3A_116 = tpu.memref_slice %arg7[%dma_start3A_113, %dma_start3A_114, %dma_start3A_115] : memref<2x256x128xf32, #tpu.memory_space<vmem>> -> memref<1x128x128xf32, #tpu.memory_space<vmem>>
      %dma_start3A_117 = tpu.memref_squeeze %dma_start3A_116 : memref<1x128x128xf32, #tpu.memory_space<vmem>> -> memref<128x128xf32, #tpu.memory_space<vmem>>
      %dma_start3A_118 = arith.constant 0 : i32
      %dma_start3A_119 = tpu.memref_slice %arg6[%dma_start3A_111, %dma_start3A_112, %dma_start3A_118] : memref<2x8x128xi32, #tpu.memory_space<vmem>> -> memref<1x1x128xi32, #tpu.memory_space<vmem>>
      %dma_start3A_120 = tpu.memref_squeeze %dma_start3A_119 : memref<1x1x128xi32, #tpu.memory_space<vmem>> -> memref<128xi32, #tpu.memory_space<vmem>>
      %dma_start3A_121 = arith.constant 0 : i32
      %dma_start3A_122 = arith.constant 0 : i32
      %dma_start3A_123 = tpu.memref_slice %arg5[%dma_start3A_121, %dma_start3A_122] : memref<17x128xf32, #tpu.memory_space<vmem_shared>> -> memref<17x128xf32, #tpu.memory_space<vmem_shared>>
      tpu.enqueue_indirect_dma source(%dma_start3A_123 : memref<17x128xf32, #tpu.memory_space<vmem_shared>>) target(%dma_start3A_117 : memref<128x128xf32, #tpu.memory_space<vmem>>) offsets(%dma_start3A_120 : memref<128xi32, #tpu.memory_space<vmem>>) semaphore(%arg11 : memref<!tpu.dma_semaphore, #tpu.memory_space<semaphore_mem>>)
      %dma_wait3A_124 = arith.constant 0 : i32
      %dma_wait3A_125 = arith.constant 0 : i32
      %dma_wait3A_126 = arith.constant 0 : i32
      %dma_wait3A_127 = arith.constant 0 : i32
      %dma_wait3A_128 = arith.constant 0 : i32
      %dma_wait3A_129 = tpu.memref_slice %arg7[%dma_wait3A_126, %dma_wait3A_127, %dma_wait3A_128] : memref<2x256x128xf32, #tpu.memory_space<vmem>> -> memref<1x128x128xf32, #tpu.memory_space<vmem>>
      %dma_wait3A_130 = tpu.memref_squeeze %dma_wait3A_129 : memref<1x128x128xf32, #tpu.memory_space<vmem>> -> memref<128x128xf32, #tpu.memory_space<vmem>>
      %dma_wait3A_131 = arith.constant 0 : i32
      %dma_wait3A_132 = tpu.memref_slice %arg6[%dma_wait3A_124, %dma_wait3A_125, %dma_wait3A_131] : memref<2x8x128xi32, #tpu.memory_space<vmem>> -> memref<1x1x128xi32, #tpu.memory_space<vmem>>
      %dma_wait3A_133 = tpu.memref_squeeze %dma_wait3A_132 : memref<1x1x128xi32, #tpu.memory_space<vmem>> -> memref<128xi32, #tpu.memory_space<vmem>>
      %dma_wait3A_134 = arith.constant 0 : i32
      %dma_wait3A_135 = arith.constant 0 : i32
      %dma_wait3A_136 = tpu.memref_slice %arg5[%dma_wait3A_134, %dma_wait3A_135] : memref<17x128xf32, #tpu.memory_space<vmem_shared>> -> memref<17x128xf32, #tpu.memory_space<vmem_shared>>
      tpu.wait_indirect_dma semaphore(%arg10 : memref<!tpu.dma_semaphore, #tpu.memory_space<semaphore_mem>>) src(%dma_wait3A_136 : memref<17x128xf32, #tpu.memory_space<vmem_shared>>) dst(%dma_wait3A_130 : memref<128x128xf32, #tpu.memory_space<vmem>>)
      %mul3A_137 = arith.constant 8 : i32
      %mul3A_138 = arith.muli %add3A_104, %mul3A_137 : i32
      %add3A_139 = arith.constant 1 : i32
      %add3A_140 = arith.addi %mul3A_138, %add3A_139 : i32
      %gt3A = arith.constant 0 : i32
      %gt3A_141 = arith.cmpi sgt, %scan3A_100, %gt3A : i32
      %convert_element_type3A_142 = arith.extui %gt3A_141 : i1 to i32
      %cond3A_143 = arith.constant 0 : i32
      %cond3A_144 = arith.cmpi ne, %convert_element_type3A_142, %cond3A_143 : i32
      scf.if %cond3A_144 {
        %add3A_1237 = arith.constant 1 : i32
        %add3A_1238 = arith.addi %add3A_140, %add3A_1237 : i32
        %jit3A_1239 = arith.constant 2 : i32
        %div3A_1240 = arith.divsi %add3A_1238, %jit3A_1239 : i32
        %sign3A_1241 = arith.constant 0 : i32
        %sign3A_1242 = arith.cmpi sgt, %add3A_1238, %sign3A_1241 : i32
        %sign3A_1243 = arith.extui %sign3A_1242 : i1 to i32
        %sign3A_1244 = arith.constant 0 : i32
        %sign3A_1245 = arith.cmpi slt, %add3A_1238, %sign3A_1244 : i32
        %sign3A_1246 = arith.extui %sign3A_1245 : i1 to i32
        %sign3A_1247 = arith.subi %sign3A_1243, %sign3A_1246 : i32
        %sign3A_1248 = arith.constant 0 : i32
        %sign3A_1249 = arith.cmpi sgt, %jit3A_1239, %sign3A_1248 : i32
        %sign3A_1250 = arith.extui %sign3A_1249 : i1 to i32
        %sign3A_1251 = arith.constant 0 : i32
        %sign3A_1252 = arith.cmpi slt, %jit3A_1239, %sign3A_1251 : i32
        %sign3A_1253 = arith.extui %sign3A_1252 : i1 to i32
        %sign3A_1254 = arith.subi %sign3A_1250, %sign3A_1253 : i32
        %ne3A_1255 = arith.cmpi ne, %sign3A_1247, %sign3A_1254 : i32
        %rem3A_1256 = arith.remsi %add3A_1238, %jit3A_1239 : i32
        %ne3A_1257 = arith.constant 0 : i32
        %ne3A_1258 = arith.cmpi ne, %rem3A_1256, %ne3A_1257 : i32
        %and3A_1259 = arith.andi %ne3A_1255, %ne3A_1258 : i1
        %sub3A_1260 = arith.constant 1 : i32
        %sub3A_1261 = arith.subi %div3A_1240, %sub3A_1260 : i32
        %select_n3A_1262 = arith.select %and3A_1259, %sub3A_1261, %div3A_1240 : i32
        %sub3A_1263 = arith.constant 2 : i32
        %sub3A_1264 = arith.subi %select_n3A_1262, %sub3A_1263 : i32
        %mul3A_1265 = arith.constant 2 : i32
        %mul3A_1266 = arith.muli %sub3A_1264, %mul3A_1265 : i32
        %mul3A_1267 = arith.constant 128 : i32
        %mul3A_1268 = arith.muli %mul3A_1266, %mul3A_1267 : i32
        %add3A_1269 = arith.addi %mul3A_2, %mul3A_1268 : i32
        %dma_wait3A_1270 = arith.constant 1 : i32
        %dma_wait3A_1271 = arith.constant 0 : i32
        %dma_wait3A_1272 = arith.constant 0 : i32
        %dma_wait3A_1273 = tpu.memref_slice %arg7[%dma_wait3A_1270, %dma_wait3A_1271, %dma_wait3A_1272] : memref<2x256x128xf32, #tpu.memory_space<vmem>> -> memref<1x256x128xf32, #tpu.memory_space<vmem>>
        %dma_wait3A_1274 = tpu.memref_squeeze %dma_wait3A_1273 : memref<1x256x128xf32, #tpu.memory_space<vmem>> -> memref<256x128xf32, #tpu.memory_space<vmem>>
        %dma_wait3A_1275 = arith.constant 0 : i32
        %dma_wait3A_1276 = tpu.memref_slice %arg4[%add3A_1269, %dma_wait3A_1275] : memref<3276800x128xf32, #tpu.memory_space<hbm>> -> memref<256x128xf32, #tpu.memory_space<hbm>>
        %dma_wait3A_1277 = arith.constant 0 : i32
        %dma_wait3A_1278 = tpu.memref_slice %arg4[%add3A_1269, %dma_wait3A_1277] : memref<3276800x128xf32, #tpu.memory_space<hbm>> -> memref<256x128xf32, #tpu.memory_space<hbm>>
        %dma_wait3A_1279 = arith.constant 0 : i32
        %dma_wait3A_1280 = arith.constant 0 : i32
        %dma_wait3A_1281 = tpu.memref_slice %arg7[%dma_wait3A_1270, %dma_wait3A_1279, %dma_wait3A_1280] : memref<2x256x128xf32, #tpu.memory_space<vmem>> -> memref<1x256x128xf32, #tpu.memory_space<vmem>>
        %dma_wait3A_1282 = tpu.memref_squeeze %dma_wait3A_1281 : memref<1x256x128xf32, #tpu.memory_space<vmem>> -> memref<256x128xf32, #tpu.memory_space<vmem>>
        tpu.wait_dma2 semaphore(%arg13 : memref<!tpu.dma_semaphore, #tpu.memory_space<semaphore_mem>>) src(%dma_wait3A_1282 : memref<256x128xf32, #tpu.memory_space<vmem>>) dst(%dma_wait3A_1278 : memref<256x128xf32, #tpu.memory_space<hbm>>)
        %add3A_1283 = arith.constant 1 : i32
        %add3A_1284 = arith.addi %add3A_140, %add3A_1283 : i32
        %dma_start3A_1285 = arith.constant 0 : i32
        %dma_start3A_1286 = arith.constant 2 : i32
        %dma_start3A_1287 = arith.constant 1 : i32
        %dma_start3A_1288 = arith.constant 0 : i32
        %dma_start3A_1289 = arith.constant 0 : i32
        %dma_start3A_1290 = tpu.memref_slice %arg7[%dma_start3A_1287, %dma_start3A_1288, %dma_start3A_1289] : memref<2x256x128xf32, #tpu.memory_space<vmem>> -> memref<1x128x128xf32, #tpu.memory_space<vmem>>
        %dma_start3A_1291 = tpu.memref_squeeze %dma_start3A_1290 : memref<1x128x128xf32, #tpu.memory_space<vmem>> -> memref<128x128xf32, #tpu.memory_space<vmem>>
        %dma_start3A_1292 = arith.constant 0 : i32
        %dma_start3A_1293 = tpu.memref_slice %arg6[%dma_start3A_1285, %dma_start3A_1286, %dma_start3A_1292] : memref<2x8x128xi32, #tpu.memory_space<vmem>> -> memref<1x1x128xi32, #tpu.memory_space<vmem>>
        %dma_start3A_1294 = tpu.memref_squeeze %dma_start3A_1293 : memref<1x1x128xi32, #tpu.memory_space<vmem>> -> memref<128xi32, #tpu.memory_space<vmem>>
        %dma_start3A_1295 = arith.constant 0 : i32
        %dma_start3A_1296 = arith.constant 0 : i32
        %dma_start3A_1297 = tpu.memref_slice %arg5[%dma_start3A_1295, %dma_start3A_1296] : memref<17x128xf32, #tpu.memory_space<vmem_shared>> -> memref<17x128xf32, #tpu.memory_space<vmem_shared>>
        tpu.enqueue_indirect_dma source(%dma_start3A_1297 : memref<17x128xf32, #tpu.memory_space<vmem_shared>>) target(%dma_start3A_1291 : memref<128x128xf32, #tpu.memory_space<vmem>>) offsets(%dma_start3A_1294 : memref<128xi32, #tpu.memory_space<vmem>>) semaphore(%arg10 : memref<!tpu.dma_semaphore, #tpu.memory_space<semaphore_mem>>)
      } else {
      }
      %eq3A_145 = arith.constant 0 : i32
      %eq3A_146 = arith.cmpi eq, %scan3A_100, %eq3A_145 : i32
      %convert_element_type3A_147 = arith.extui %eq3A_146 : i1 to i32
      %cond3A_148 = arith.constant 0 : i32
      %cond3A_149 = arith.cmpi ne, %convert_element_type3A_147, %cond3A_148 : i32
      scf.if %cond3A_149 {
        %add3A_1237 = arith.constant 1 : i32
        %add3A_1238 = arith.addi %add3A_140, %add3A_1237 : i32
        %dma_start3A_1239 = arith.constant 0 : i32
        %dma_start3A_1240 = arith.constant 2 : i32
        %dma_start3A_1241 = arith.constant 1 : i32
        %dma_start3A_1242 = arith.constant 0 : i32
        %dma_start3A_1243 = arith.constant 0 : i32
        %dma_start3A_1244 = tpu.memref_slice %arg7[%dma_start3A_1241, %dma_start3A_1242, %dma_start3A_1243] : memref<2x256x128xf32, #tpu.memory_space<vmem>> -> memref<1x128x128xf32, #tpu.memory_space<vmem>>
        %dma_start3A_1245 = tpu.memref_squeeze %dma_start3A_1244 : memref<1x128x128xf32, #tpu.memory_space<vmem>> -> memref<128x128xf32, #tpu.memory_space<vmem>>
        %dma_start3A_1246 = arith.constant 0 : i32
        %dma_start3A_1247 = tpu.memref_slice %arg6[%dma_start3A_1239, %dma_start3A_1240, %dma_start3A_1246] : memref<2x8x128xi32, #tpu.memory_space<vmem>> -> memref<1x1x128xi32, #tpu.memory_space<vmem>>
        %dma_start3A_1248 = tpu.memref_squeeze %dma_start3A_1247 : memref<1x1x128xi32, #tpu.memory_space<vmem>> -> memref<128xi32, #tpu.memory_space<vmem>>
        %dma_start3A_1249 = arith.constant 0 : i32
        %dma_start3A_1250 = arith.constant 0 : i32
        %dma_start3A_1251 = tpu.memref_slice %arg5[%dma_start3A_1249, %dma_start3A_1250] : memref<17x128xf32, #tpu.memory_space<vmem_shared>> -> memref<17x128xf32, #tpu.memory_space<vmem_shared>>
        tpu.enqueue_indirect_dma source(%dma_start3A_1251 : memref<17x128xf32, #tpu.memory_space<vmem_shared>>) target(%dma_start3A_1245 : memref<128x128xf32, #tpu.memory_space<vmem>>) offsets(%dma_start3A_1248 : memref<128xi32, #tpu.memory_space<vmem>>) semaphore(%arg10 : memref<!tpu.dma_semaphore, #tpu.memory_space<semaphore_mem>>)
      } else {
      }
      %dma_wait3A_150 = arith.constant 0 : i32
      %dma_wait3A_151 = arith.constant 1 : i32
      %dma_wait3A_152 = arith.constant 0 : i32
      %dma_wait3A_153 = arith.constant 128 : i32
      %dma_wait3A_154 = arith.constant 0 : i32
      %dma_wait3A_155 = tpu.memref_slice %arg7[%dma_wait3A_152, %dma_wait3A_153, %dma_wait3A_154] : memref<2x256x128xf32, #tpu.memory_space<vmem>> -> memref<1x128x128xf32, #tpu.memory_space<vmem>>
      %dma_wait3A_156 = tpu.memref_squeeze %dma_wait3A_155 : memref<1x128x128xf32, #tpu.memory_space<vmem>> -> memref<128x128xf32, #tpu.memory_space<vmem>>
      %dma_wait3A_157 = arith.constant 0 : i32
      %dma_wait3A_158 = tpu.memref_slice %arg6[%dma_wait3A_150, %dma_wait3A_151, %dma_wait3A_157] : memref<2x8x128xi32, #tpu.memory_space<vmem>> -> memref<1x1x128xi32, #tpu.memory_space<vmem>>
      %dma_wait3A_159 = tpu.memref_squeeze %dma_wait3A_158 : memref<1x1x128xi32, #tpu.memory_space<vmem>> -> memref<128xi32, #tpu.memory_space<vmem>>
      %dma_wait3A_160 = arith.constant 0 : i32
      %dma_wait3A_161 = arith.constant 0 : i32
      %dma_wait3A_162 = tpu.memref_slice %arg5[%dma_wait3A_160, %dma_wait3A_161] : memref<17x128xf32, #tpu.memory_space<vmem_shared>> -> memref<17x128xf32, #tpu.memory_space<vmem_shared>>
      tpu.wait_indirect_dma semaphore(%arg11 : memref<!tpu.dma_semaphore, #tpu.memory_space<semaphore_mem>>) src(%dma_wait3A_162 : memref<17x128xf32, #tpu.memory_space<vmem_shared>>) dst(%dma_wait3A_156 : memref<128x128xf32, #tpu.memory_space<vmem>>)
      %jit3A = arith.constant 2 : i32
      %div3A = arith.divsi %add3A_140, %jit3A : i32
      %sign3A = arith.constant 0 : i32
      %sign3A_163 = arith.cmpi sgt, %add3A_140, %sign3A : i32
      %sign3A_164 = arith.extui %sign3A_163 : i1 to i32
      %sign3A_165 = arith.constant 0 : i32
      %sign3A_166 = arith.cmpi slt, %add3A_140, %sign3A_165 : i32
      %sign3A_167 = arith.extui %sign3A_166 : i1 to i32
      %sign3A_168 = arith.subi %sign3A_164, %sign3A_167 : i32
      %sign3A_169 = arith.constant 0 : i32
      %sign3A_170 = arith.cmpi sgt, %jit3A, %sign3A_169 : i32
      %sign3A_171 = arith.extui %sign3A_170 : i1 to i32
      %sign3A_172 = arith.constant 0 : i32
      %sign3A_173 = arith.cmpi slt, %jit3A, %sign3A_172 : i32
      %sign3A_174 = arith.extui %sign3A_173 : i1 to i32
      %sign3A_175 = arith.subi %sign3A_171, %sign3A_174 : i32
      %ne3A = arith.cmpi ne, %sign3A_168, %sign3A_175 : i32
      %rem3A = arith.remsi %add3A_140, %jit3A : i32
      %ne3A_176 = arith.constant 0 : i32
      %ne3A_177 = arith.cmpi ne, %rem3A, %ne3A_176 : i32
      %and3A = arith.andi %ne3A, %ne3A_177 : i1
      %sub3A = arith.constant 1 : i32
      %sub3A_178 = arith.subi %div3A, %sub3A : i32
      %select_n3A = arith.select %and3A, %sub3A_178, %div3A : i32
      %mul3A_179 = arith.constant 2 : i32
      %mul3A_180 = arith.muli %select_n3A, %mul3A_179 : i32
      %mul3A_181 = arith.constant 128 : i32
      %mul3A_182 = arith.muli %mul3A_180, %mul3A_181 : i32
      %add3A_183 = arith.addi %mul3A_2, %mul3A_182 : i32
      %dma_start3A_184 = arith.constant 0 : i32
      %dma_start3A_185 = arith.constant 0 : i32
      %dma_start3A_186 = arith.constant 0 : i32
      %dma_start3A_187 = tpu.memref_slice %arg7[%dma_start3A_184, %dma_start3A_185, %dma_start3A_186] : memref<2x256x128xf32, #tpu.memory_space<vmem>> -> memref<1x256x128xf32, #tpu.memory_space<vmem>>
      %dma_start3A_188 = tpu.memref_squeeze %dma_start3A_187 : memref<1x256x128xf32, #tpu.memory_space<vmem>> -> memref<256x128xf32, #tpu.memory_space<vmem>>
      %dma_start3A_189 = arith.constant 0 : i32
      %dma_start3A_190 = tpu.memref_slice %arg4[%add3A_183, %dma_start3A_189] : memref<3276800x128xf32, #tpu.memory_space<hbm>> -> memref<256x128xf32, #tpu.memory_space<hbm>>
      %dma_start3A_191 = arith.constant 0 : i32
      %dma_start3A_192 = tpu.memref_slice %arg4[%add3A_183, %dma_start3A_191] : memref<3276800x128xf32, #tpu.memory_space<hbm>> -> memref<256x128xf32, #tpu.memory_space<hbm>>
      %dma_start3A_193 = arith.constant 0 : i32
      %dma_start3A_194 = arith.constant 0 : i32
      %dma_start3A_195 = tpu.memref_slice %arg7[%dma_start3A_184, %dma_start3A_193, %dma_start3A_194] : memref<2x256x128xf32, #tpu.memory_space<vmem>> -> memref<1x256x128xf32, #tpu.memory_space<vmem>>
      %dma_start3A_196 = tpu.memref_squeeze %dma_start3A_195 : memref<1x256x128xf32, #tpu.memory_space<vmem>> -> memref<256x128xf32, #tpu.memory_space<vmem>>
      tpu.enqueue_dma source(%dma_start3A_196 : memref<256x128xf32, #tpu.memory_space<vmem>>) target(%dma_start3A_192 : memref<256x128xf32, #tpu.memory_space<hbm>>) target_semaphore(%arg12 : memref<!tpu.dma_semaphore, #tpu.memory_space<semaphore_mem>>)
      %mul3A_197 = arith.constant 8 : i32
      %mul3A_198 = arith.muli %add3A_104, %mul3A_197 : i32
      %add3A_199 = arith.constant 2 : i32
      %add3A_200 = arith.addi %mul3A_198, %add3A_199 : i32
      %add3A_201 = arith.constant 1 : i32
      %add3A_202 = arith.addi %add3A_200, %add3A_201 : i32
      %dma_start3A_203 = arith.constant 0 : i32
      %dma_start3A_204 = arith.constant 3 : i32
      %dma_start3A_205 = arith.constant 1 : i32
      %dma_start3A_206 = arith.constant 128 : i32
      %dma_start3A_207 = arith.constant 0 : i32
      %dma_start3A_208 = tpu.memref_slice %arg7[%dma_start3A_205, %dma_start3A_206, %dma_start3A_207] : memref<2x256x128xf32, #tpu.memory_space<vmem>> -> memref<1x128x128xf32, #tpu.memory_space<vmem>>
      %dma_start3A_209 = tpu.memref_squeeze %dma_start3A_208 : memref<1x128x128xf32, #tpu.memory_space<vmem>> -> memref<128x128xf32, #tpu.memory_space<vmem>>
      %dma_start3A_210 = arith.constant 0 : i32
      %dma_start3A_211 = tpu.memref_slice %arg6[%dma_start3A_203, %dma_start3A_204, %dma_start3A_210] : memref<2x8x128xi32, #tpu.memory_space<vmem>> -> memref<1x1x128xi32, #tpu.memory_space<vmem>>
      %dma_start3A_212 = tpu.memref_squeeze %dma_start3A_211 : memref<1x1x128xi32, #tpu.memory_space<vmem>> -> memref<128xi32, #tpu.memory_space<vmem>>
      %dma_start3A_213 = arith.constant 0 : i32
      %dma_start3A_214 = arith.constant 0 : i32
      %dma_start3A_215 = tpu.memref_slice %arg5[%dma_start3A_213, %dma_start3A_214] : memref<17x128xf32, #tpu.memory_space<vmem_shared>> -> memref<17x128xf32, #tpu.memory_space<vmem_shared>>
      tpu.enqueue_indirect_dma source(%dma_start3A_215 : memref<17x128xf32, #tpu.memory_space<vmem_shared>>) target(%dma_start3A_209 : memref<128x128xf32, #tpu.memory_space<vmem>>) offsets(%dma_start3A_212 : memref<128xi32, #tpu.memory_space<vmem>>) semaphore(%arg11 : memref<!tpu.dma_semaphore, #tpu.memory_space<semaphore_mem>>)
      %dma_wait3A_216 = arith.constant 0 : i32
      %dma_wait3A_217 = arith.constant 2 : i32
      %dma_wait3A_218 = arith.constant 1 : i32
      %dma_wait3A_219 = arith.constant 0 : i32
      %dma_wait3A_220 = arith.constant 0 : i32
      %dma_wait3A_221 = tpu.memref_slice %arg7[%dma_wait3A_218, %dma_wait3A_219, %dma_wait3A_220] : memref<2x256x128xf32, #tpu.memory_space<vmem>> -> memref<1x128x128xf32, #tpu.memory_space<vmem>>
      %dma_wait3A_222 = tpu.memref_squeeze %dma_wait3A_221 : memref<1x128x128xf32, #tpu.memory_space<vmem>> -> memref<128x128xf32, #tpu.memory_space<vmem>>
      %dma_wait3A_223 = arith.constant 0 : i32
      %dma_wait3A_224 = tpu.memref_slice %arg6[%dma_wait3A_216, %dma_wait3A_217, %dma_wait3A_223] : memref<2x8x128xi32, #tpu.memory_space<vmem>> -> memref<1x1x128xi32, #tpu.memory_space<vmem>>
      %dma_wait3A_225 = tpu.memref_squeeze %dma_wait3A_224 : memref<1x1x128xi32, #tpu.memory_space<vmem>> -> memref<128xi32, #tpu.memory_space<vmem>>
      %dma_wait3A_226 = arith.constant 0 : i32
      %dma_wait3A_227 = arith.constant 0 : i32
      %dma_wait3A_228 = tpu.memref_slice %arg5[%dma_wait3A_226, %dma_wait3A_227] : memref<17x128xf32, #tpu.memory_space<vmem_shared>> -> memref<17x128xf32, #tpu.memory_space<vmem_shared>>
      tpu.wait_indirect_dma semaphore(%arg10 : memref<!tpu.dma_semaphore, #tpu.memory_space<semaphore_mem>>) src(%dma_wait3A_228 : memref<17x128xf32, #tpu.memory_space<vmem_shared>>) dst(%dma_wait3A_222 : memref<128x128xf32, #tpu.memory_space<vmem>>)
      %mul3A_229 = arith.constant 8 : i32
      %mul3A_230 = arith.muli %add3A_104, %mul3A_229 : i32
      %add3A_231 = arith.constant 3 : i32
      %add3A_232 = arith.addi %mul3A_230, %add3A_231 : i32
      %add3A_233 = arith.constant 1 : i32
      %add3A_234 = arith.addi %add3A_232, %add3A_233 : i32
      %jit3A_235 = arith.constant 2 : i32
      %div3A_236 = arith.divsi %add3A_234, %jit3A_235 : i32
      %sign3A_237 = arith.constant 0 : i32
      %sign3A_238 = arith.cmpi sgt, %add3A_234, %sign3A_237 : i32
      %sign3A_239 = arith.extui %sign3A_238 : i1 to i32
      %sign3A_240 = arith.constant 0 : i32
      %sign3A_241 = arith.cmpi slt, %add3A_234, %sign3A_240 : i32
      %sign3A_242 = arith.extui %sign3A_241 : i1 to i32
      %sign3A_243 = arith.subi %sign3A_239, %sign3A_242 : i32
      %sign3A_244 = arith.constant 0 : i32
      %sign3A_245 = arith.cmpi sgt, %jit3A_235, %sign3A_244 : i32
      %sign3A_246 = arith.extui %sign3A_245 : i1 to i32
      %sign3A_247 = arith.constant 0 : i32
      %sign3A_248 = arith.cmpi slt, %jit3A_235, %sign3A_247 : i32
      %sign3A_249 = arith.extui %sign3A_248 : i1 to i32
      %sign3A_250 = arith.subi %sign3A_246, %sign3A_249 : i32
      %ne3A_251 = arith.cmpi ne, %sign3A_243, %sign3A_250 : i32
      %rem3A_252 = arith.remsi %add3A_234, %jit3A_235 : i32
      %ne3A_253 = arith.constant 0 : i32
      %ne3A_254 = arith.cmpi ne, %rem3A_252, %ne3A_253 : i32
      %and3A_255 = arith.andi %ne3A_251, %ne3A_254 : i1
      %sub3A_256 = arith.constant 1 : i32
      %sub3A_257 = arith.subi %div3A_236, %sub3A_256 : i32
      %select_n3A_258 = arith.select %and3A_255, %sub3A_257, %div3A_236 : i32
      %sub3A_259 = arith.constant 2 : i32
      %sub3A_260 = arith.subi %select_n3A_258, %sub3A_259 : i32
      %mul3A_261 = arith.constant 2 : i32
      %mul3A_262 = arith.muli %sub3A_260, %mul3A_261 : i32
      %mul3A_263 = arith.constant 128 : i32
      %mul3A_264 = arith.muli %mul3A_262, %mul3A_263 : i32
      %add3A_265 = arith.addi %mul3A_2, %mul3A_264 : i32
      %dma_wait3A_266 = arith.constant 0 : i32
      %dma_wait3A_267 = arith.constant 0 : i32
      %dma_wait3A_268 = arith.constant 0 : i32
      %dma_wait3A_269 = tpu.memref_slice %arg7[%dma_wait3A_266, %dma_wait3A_267, %dma_wait3A_268] : memref<2x256x128xf32, #tpu.memory_space<vmem>> -> memref<1x256x128xf32, #tpu.memory_space<vmem>>
      %dma_wait3A_270 = tpu.memref_squeeze %dma_wait3A_269 : memref<1x256x128xf32, #tpu.memory_space<vmem>> -> memref<256x128xf32, #tpu.memory_space<vmem>>
      %dma_wait3A_271 = arith.constant 0 : i32
      %dma_wait3A_272 = tpu.memref_slice %arg4[%add3A_265, %dma_wait3A_271] : memref<3276800x128xf32, #tpu.memory_space<hbm>> -> memref<256x128xf32, #tpu.memory_space<hbm>>
      %dma_wait3A_273 = arith.constant 0 : i32
      %dma_wait3A_274 = tpu.memref_slice %arg4[%add3A_265, %dma_wait3A_273] : memref<3276800x128xf32, #tpu.memory_space<hbm>> -> memref<256x128xf32, #tpu.memory_space<hbm>>
      %dma_wait3A_275 = arith.constant 0 : i32
      %dma_wait3A_276 = arith.constant 0 : i32
      %dma_wait3A_277 = tpu.memref_slice %arg7[%dma_wait3A_266, %dma_wait3A_275, %dma_wait3A_276] : memref<2x256x128xf32, #tpu.memory_space<vmem>> -> memref<1x256x128xf32, #tpu.memory_space<vmem>>
      %dma_wait3A_278 = tpu.memref_squeeze %dma_wait3A_277 : memref<1x256x128xf32, #tpu.memory_space<vmem>> -> memref<256x128xf32, #tpu.memory_space<vmem>>
      tpu.wait_dma2 semaphore(%arg12 : memref<!tpu.dma_semaphore, #tpu.memory_space<semaphore_mem>>) src(%dma_wait3A_278 : memref<256x128xf32, #tpu.memory_space<vmem>>) dst(%dma_wait3A_274 : memref<256x128xf32, #tpu.memory_space<hbm>>)
      %add3A_279 = arith.constant 1 : i32
      %add3A_280 = arith.addi %add3A_232, %add3A_279 : i32
      %dma_start3A_281 = arith.constant 0 : i32
      %dma_start3A_282 = arith.constant 4 : i32
      %dma_start3A_283 = arith.constant 0 : i32
      %dma_start3A_284 = arith.constant 0 : i32
      %dma_start3A_285 = arith.constant 0 : i32
      %dma_start3A_286 = tpu.memref_slice %arg7[%dma_start3A_283, %dma_start3A_284, %dma_start3A_285] : memref<2x256x128xf32, #tpu.memory_space<vmem>> -> memref<1x128x128xf32, #tpu.memory_space<vmem>>
      %dma_start3A_287 = tpu.memref_squeeze %dma_start3A_286 : memref<1x128x128xf32, #tpu.memory_space<vmem>> -> memref<128x128xf32, #tpu.memory_space<vmem>>
      %dma_start3A_288 = arith.constant 0 : i32
      %dma_start3A_289 = tpu.memref_slice %arg6[%dma_start3A_281, %dma_start3A_282, %dma_start3A_288] : memref<2x8x128xi32, #tpu.memory_space<vmem>> -> memref<1x1x128xi32, #tpu.memory_space<vmem>>
      %dma_start3A_290 = tpu.memref_squeeze %dma_start3A_289 : memref<1x1x128xi32, #tpu.memory_space<vmem>> -> memref<128xi32, #tpu.memory_space<vmem>>
      %dma_start3A_291 = arith.constant 0 : i32
      %dma_start3A_292 = arith.constant 0 : i32
      %dma_start3A_293 = tpu.memref_slice %arg5[%dma_start3A_291, %dma_start3A_292] : memref<17x128xf32, #tpu.memory_space<vmem_shared>> -> memref<17x128xf32, #tpu.memory_space<vmem_shared>>
      tpu.enqueue_indirect_dma source(%dma_start3A_293 : memref<17x128xf32, #tpu.memory_space<vmem_shared>>) target(%dma_start3A_287 : memref<128x128xf32, #tpu.memory_space<vmem>>) offsets(%dma_start3A_290 : memref<128xi32, #tpu.memory_space<vmem>>) semaphore(%arg10 : memref<!tpu.dma_semaphore, #tpu.memory_space<semaphore_mem>>)
      %dma_wait3A_294 = arith.constant 0 : i32
      %dma_wait3A_295 = arith.constant 3 : i32
      %dma_wait3A_296 = arith.constant 1 : i32
      %dma_wait3A_297 = arith.constant 128 : i32
      %dma_wait3A_298 = arith.constant 0 : i32
      %dma_wait3A_299 = tpu.memref_slice %arg7[%dma_wait3A_296, %dma_wait3A_297, %dma_wait3A_298] : memref<2x256x128xf32, #tpu.memory_space<vmem>> -> memref<1x128x128xf32, #tpu.memory_space<vmem>>
      %dma_wait3A_300 = tpu.memref_squeeze %dma_wait3A_299 : memref<1x128x128xf32, #tpu.memory_space<vmem>> -> memref<128x128xf32, #tpu.memory_space<vmem>>
      %dma_wait3A_301 = arith.constant 0 : i32
      %dma_wait3A_302 = tpu.memref_slice %arg6[%dma_wait3A_294, %dma_wait3A_295, %dma_wait3A_301] : memref<2x8x128xi32, #tpu.memory_space<vmem>> -> memref<1x1x128xi32, #tpu.memory_space<vmem>>
      %dma_wait3A_303 = tpu.memref_squeeze %dma_wait3A_302 : memref<1x1x128xi32, #tpu.memory_space<vmem>> -> memref<128xi32, #tpu.memory_space<vmem>>
      %dma_wait3A_304 = arith.constant 0 : i32
      %dma_wait3A_305 = arith.constant 0 : i32
      %dma_wait3A_306 = tpu.memref_slice %arg5[%dma_wait3A_304, %dma_wait3A_305] : memref<17x128xf32, #tpu.memory_space<vmem_shared>> -> memref<17x128xf32, #tpu.memory_space<vmem_shared>>
      tpu.wait_indirect_dma semaphore(%arg11 : memref<!tpu.dma_semaphore, #tpu.memory_space<semaphore_mem>>) src(%dma_wait3A_306 : memref<17x128xf32, #tpu.memory_space<vmem_shared>>) dst(%dma_wait3A_300 : memref<128x128xf32, #tpu.memory_space<vmem>>)
      %jit3A_307 = arith.constant 2 : i32
      %div3A_308 = arith.divsi %add3A_232, %jit3A_307 : i32
      %sign3A_309 = arith.constant 0 : i32
      %sign3A_310 = arith.cmpi sgt, %add3A_232, %sign3A_309 : i32
      %sign3A_311 = arith.extui %sign3A_310 : i1 to i32
      %sign3A_312 = arith.constant 0 : i32
      %sign3A_313 = arith.cmpi slt, %add3A_232, %sign3A_312 : i32
      %sign3A_314 = arith.extui %sign3A_313 : i1 to i32
      %sign3A_315 = arith.subi %sign3A_311, %sign3A_314 : i32
      %sign3A_316 = arith.constant 0 : i32
      %sign3A_317 = arith.cmpi sgt, %jit3A_307, %sign3A_316 : i32
      %sign3A_318 = arith.extui %sign3A_317 : i1 to i32
      %sign3A_319 = arith.constant 0 : i32
      %sign3A_320 = arith.cmpi slt, %jit3A_307, %sign3A_319 : i32
      %sign3A_321 = arith.extui %sign3A_320 : i1 to i32
      %sign3A_322 = arith.subi %sign3A_318, %sign3A_321 : i32
      %ne3A_323 = arith.cmpi ne, %sign3A_315, %sign3A_322 : i32
      %rem3A_324 = arith.remsi %add3A_232, %jit3A_307 : i32
      %ne3A_325 = arith.constant 0 : i32
      %ne3A_326 = arith.cmpi ne, %rem3A_324, %ne3A_325 : i32
      %and3A_327 = arith.andi %ne3A_323, %ne3A_326 : i1
      %sub3A_328 = arith.constant 1 : i32
      %sub3A_329 = arith.subi %div3A_308, %sub3A_328 : i32
      %select_n3A_330 = arith.select %and3A_327, %sub3A_329, %div3A_308 : i32
      %mul3A_331 = arith.constant 2 : i32
      %mul3A_332 = arith.muli %select_n3A_330, %mul3A_331 : i32
      %mul3A_333 = arith.constant 128 : i32
      %mul3A_334 = arith.muli %mul3A_332, %mul3A_333 : i32
      %add3A_335 = arith.addi %mul3A_2, %mul3A_334 : i32
      %dma_start3A_336 = arith.constant 1 : i32
      %dma_start3A_337 = arith.constant 0 : i32
      %dma_start3A_338 = arith.constant 0 : i32
      %dma_start3A_339 = tpu.memref_slice %arg7[%dma_start3A_336, %dma_start3A_337, %dma_start3A_338] : memref<2x256x128xf32, #tpu.memory_space<vmem>> -> memref<1x256x128xf32, #tpu.memory_space<vmem>>
      %dma_start3A_340 = tpu.memref_squeeze %dma_start3A_339 : memref<1x256x128xf32, #tpu.memory_space<vmem>> -> memref<256x128xf32, #tpu.memory_space<vmem>>
      %dma_start3A_341 = arith.constant 0 : i32
      %dma_start3A_342 = tpu.memref_slice %arg4[%add3A_335, %dma_start3A_341] : memref<3276800x128xf32, #tpu.memory_space<hbm>> -> memref<256x128xf32, #tpu.memory_space<hbm>>
      %dma_start3A_343 = arith.constant 0 : i32
      %dma_start3A_344 = tpu.memref_slice %arg4[%add3A_335, %dma_start3A_343] : memref<3276800x128xf32, #tpu.memory_space<hbm>> -> memref<256x128xf32, #tpu.memory_space<hbm>>
      %dma_start3A_345 = arith.constant 0 : i32
      %dma_start3A_346 = arith.constant 0 : i32
      %dma_start3A_347 = tpu.memref_slice %arg7[%dma_start3A_336, %dma_start3A_345, %dma_start3A_346] : memref<2x256x128xf32, #tpu.memory_space<vmem>> -> memref<1x256x128xf32, #tpu.memory_space<vmem>>
      %dma_start3A_348 = tpu.memref_squeeze %dma_start3A_347 : memref<1x256x128xf32, #tpu.memory_space<vmem>> -> memref<256x128xf32, #tpu.memory_space<vmem>>
      tpu.enqueue_dma source(%dma_start3A_348 : memref<256x128xf32, #tpu.memory_space<vmem>>) target(%dma_start3A_344 : memref<256x128xf32, #tpu.memory_space<hbm>>) target_semaphore(%arg13 : memref<!tpu.dma_semaphore, #tpu.memory_space<semaphore_mem>>)
      %mul3A_349 = arith.constant 8 : i32
      %mul3A_350 = arith.muli %add3A_104, %mul3A_349 : i32
      %add3A_351 = arith.constant 4 : i32
      %add3A_352 = arith.addi %mul3A_350, %add3A_351 : i32
      %add3A_353 = arith.constant 1 : i32
      %add3A_354 = arith.addi %add3A_352, %add3A_353 : i32
      %dma_start3A_355 = arith.constant 0 : i32
      %dma_start3A_356 = arith.constant 5 : i32
      %dma_start3A_357 = arith.constant 0 : i32
      %dma_start3A_358 = arith.constant 128 : i32
      %dma_start3A_359 = arith.constant 0 : i32
      %dma_start3A_360 = tpu.memref_slice %arg7[%dma_start3A_357, %dma_start3A_358, %dma_start3A_359] : memref<2x256x128xf32, #tpu.memory_space<vmem>> -> memref<1x128x128xf32, #tpu.memory_space<vmem>>
      %dma_start3A_361 = tpu.memref_squeeze %dma_start3A_360 : memref<1x128x128xf32, #tpu.memory_space<vmem>> -> memref<128x128xf32, #tpu.memory_space<vmem>>
      %dma_start3A_362 = arith.constant 0 : i32
      %dma_start3A_363 = tpu.memref_slice %arg6[%dma_start3A_355, %dma_start3A_356, %dma_start3A_362] : memref<2x8x128xi32, #tpu.memory_space<vmem>> -> memref<1x1x128xi32, #tpu.memory_space<vmem>>
      %dma_start3A_364 = tpu.memref_squeeze %dma_start3A_363 : memref<1x1x128xi32, #tpu.memory_space<vmem>> -> memref<128xi32, #tpu.memory_space<vmem>>
      %dma_start3A_365 = arith.constant 0 : i32
      %dma_start3A_366 = arith.constant 0 : i32
      %dma_start3A_367 = tpu.memref_slice %arg5[%dma_start3A_365, %dma_start3A_366] : memref<17x128xf32, #tpu.memory_space<vmem_shared>> -> memref<17x128xf32, #tpu.memory_space<vmem_shared>>
      tpu.enqueue_indirect_dma source(%dma_start3A_367 : memref<17x128xf32, #tpu.memory_space<vmem_shared>>) target(%dma_start3A_361 : memref<128x128xf32, #tpu.memory_space<vmem>>) offsets(%dma_start3A_364 : memref<128xi32, #tpu.memory_space<vmem>>) semaphore(%arg11 : memref<!tpu.dma_semaphore, #tpu.memory_space<semaphore_mem>>)
      %dma_wait3A_368 = arith.constant 0 : i32
      %dma_wait3A_369 = arith.constant 4 : i32
      %dma_wait3A_370 = arith.constant 0 : i32
      %dma_wait3A_371 = arith.constant 0 : i32
      %dma_wait3A_372 = arith.constant 0 : i32
      %dma_wait3A_373 = tpu.memref_slice %arg7[%dma_wait3A_370, %dma_wait3A_371, %dma_wait3A_372] : memref<2x256x128xf32, #tpu.memory_space<vmem>> -> memref<1x128x128xf32, #tpu.memory_space<vmem>>
      %dma_wait3A_374 = tpu.memref_squeeze %dma_wait3A_373 : memref<1x128x128xf32, #tpu.memory_space<vmem>> -> memref<128x128xf32, #tpu.memory_space<vmem>>
      %dma_wait3A_375 = arith.constant 0 : i32
      %dma_wait3A_376 = tpu.memref_slice %arg6[%dma_wait3A_368, %dma_wait3A_369, %dma_wait3A_375] : memref<2x8x128xi32, #tpu.memory_space<vmem>> -> memref<1x1x128xi32, #tpu.memory_space<vmem>>
      %dma_wait3A_377 = tpu.memref_squeeze %dma_wait3A_376 : memref<1x1x128xi32, #tpu.memory_space<vmem>> -> memref<128xi32, #tpu.memory_space<vmem>>
      %dma_wait3A_378 = arith.constant 0 : i32
      %dma_wait3A_379 = arith.constant 0 : i32
      %dma_wait3A_380 = tpu.memref_slice %arg5[%dma_wait3A_378, %dma_wait3A_379] : memref<17x128xf32, #tpu.memory_space<vmem_shared>> -> memref<17x128xf32, #tpu.memory_space<vmem_shared>>
      tpu.wait_indirect_dma semaphore(%arg10 : memref<!tpu.dma_semaphore, #tpu.memory_space<semaphore_mem>>) src(%dma_wait3A_380 : memref<17x128xf32, #tpu.memory_space<vmem_shared>>) dst(%dma_wait3A_374 : memref<128x128xf32, #tpu.memory_space<vmem>>)
      %mul3A_381 = arith.constant 8 : i32
      %mul3A_382 = arith.muli %add3A_104, %mul3A_381 : i32
      %add3A_383 = arith.constant 5 : i32
      %add3A_384 = arith.addi %mul3A_382, %add3A_383 : i32
      %add3A_385 = arith.constant 1 : i32
      %add3A_386 = arith.addi %add3A_384, %add3A_385 : i32
      %jit3A_387 = arith.constant 2 : i32
      %div3A_388 = arith.divsi %add3A_386, %jit3A_387 : i32
      %sign3A_389 = arith.constant 0 : i32
      %sign3A_390 = arith.cmpi sgt, %add3A_386, %sign3A_389 : i32
      %sign3A_391 = arith.extui %sign3A_390 : i1 to i32
      %sign3A_392 = arith.constant 0 : i32
      %sign3A_393 = arith.cmpi slt, %add3A_386, %sign3A_392 : i32
      %sign3A_394 = arith.extui %sign3A_393 : i1 to i32
      %sign3A_395 = arith.subi %sign3A_391, %sign3A_394 : i32
      %sign3A_396 = arith.constant 0 : i32
      %sign3A_397 = arith.cmpi sgt, %jit3A_387, %sign3A_396 : i32
      %sign3A_398 = arith.extui %sign3A_397 : i1 to i32
      %sign3A_399 = arith.constant 0 : i32
      %sign3A_400 = arith.cmpi slt, %jit3A_387, %sign3A_399 : i32
      %sign3A_401 = arith.extui %sign3A_400 : i1 to i32
      %sign3A_402 = arith.subi %sign3A_398, %sign3A_401 : i32
      %ne3A_403 = arith.cmpi ne, %sign3A_395, %sign3A_402 : i32
      %rem3A_404 = arith.remsi %add3A_386, %jit3A_387 : i32
      %ne3A_405 = arith.constant 0 : i32
      %ne3A_406 = arith.cmpi ne, %rem3A_404, %ne3A_405 : i32
      %and3A_407 = arith.andi %ne3A_403, %ne3A_406 : i1
      %sub3A_408 = arith.constant 1 : i32
      %sub3A_409 = arith.subi %div3A_388, %sub3A_408 : i32
      %select_n3A_410 = arith.select %and3A_407, %sub3A_409, %div3A_388 : i32
      %sub3A_411 = arith.constant 2 : i32
      %sub3A_412 = arith.subi %select_n3A_410, %sub3A_411 : i32
      %mul3A_413 = arith.constant 2 : i32
      %mul3A_414 = arith.muli %sub3A_412, %mul3A_413 : i32
      %mul3A_415 = arith.constant 128 : i32
      %mul3A_416 = arith.muli %mul3A_414, %mul3A_415 : i32
      %add3A_417 = arith.addi %mul3A_2, %mul3A_416 : i32
      %dma_wait3A_418 = arith.constant 1 : i32
      %dma_wait3A_419 = arith.constant 0 : i32
      %dma_wait3A_420 = arith.constant 0 : i32
      %dma_wait3A_421 = tpu.memref_slice %arg7[%dma_wait3A_418, %dma_wait3A_419, %dma_wait3A_420] : memref<2x256x128xf32, #tpu.memory_space<vmem>> -> memref<1x256x128xf32, #tpu.memory_space<vmem>>
      %dma_wait3A_422 = tpu.memref_squeeze %dma_wait3A_421 : memref<1x256x128xf32, #tpu.memory_space<vmem>> -> memref<256x128xf32, #tpu.memory_space<vmem>>
      %dma_wait3A_423 = arith.constant 0 : i32
      %dma_wait3A_424 = tpu.memref_slice %arg4[%add3A_417, %dma_wait3A_423] : memref<3276800x128xf32, #tpu.memory_space<hbm>> -> memref<256x128xf32, #tpu.memory_space<hbm>>
      %dma_wait3A_425 = arith.constant 0 : i32
      %dma_wait3A_426 = tpu.memref_slice %arg4[%add3A_417, %dma_wait3A_425] : memref<3276800x128xf32, #tpu.memory_space<hbm>> -> memref<256x128xf32, #tpu.memory_space<hbm>>
      %dma_wait3A_427 = arith.constant 0 : i32
      %dma_wait3A_428 = arith.constant 0 : i32
      %dma_wait3A_429 = tpu.memref_slice %arg7[%dma_wait3A_418, %dma_wait3A_427, %dma_wait3A_428] : memref<2x256x128xf32, #tpu.memory_space<vmem>> -> memref<1x256x128xf32, #tpu.memory_space<vmem>>
      %dma_wait3A_430 = tpu.memref_squeeze %dma_wait3A_429 : memref<1x256x128xf32, #tpu.memory_space<vmem>> -> memref<256x128xf32, #tpu.memory_space<vmem>>
      tpu.wait_dma2 semaphore(%arg13 : memref<!tpu.dma_semaphore, #tpu.memory_space<semaphore_mem>>) src(%dma_wait3A_430 : memref<256x128xf32, #tpu.memory_space<vmem>>) dst(%dma_wait3A_426 : memref<256x128xf32, #tpu.memory_space<hbm>>)
      %add3A_431 = arith.constant 1 : i32
      %add3A_432 = arith.addi %add3A_384, %add3A_431 : i32
      %dma_start3A_433 = arith.constant 0 : i32
      %dma_start3A_434 = arith.constant 6 : i32
      %dma_start3A_435 = arith.constant 1 : i32
      %dma_start3A_436 = arith.constant 0 : i32
      %dma_start3A_437 = arith.constant 0 : i32
      %dma_start3A_438 = tpu.memref_slice %arg7[%dma_start3A_435, %dma_start3A_436, %dma_start3A_437] : memref<2x256x128xf32, #tpu.memory_space<vmem>> -> memref<1x128x128xf32, #tpu.memory_space<vmem>>
      %dma_start3A_439 = tpu.memref_squeeze %dma_start3A_438 : memref<1x128x128xf32, #tpu.memory_space<vmem>> -> memref<128x128xf32, #tpu.memory_space<vmem>>
      %dma_start3A_440 = arith.constant 0 : i32
      %dma_start3A_441 = tpu.memref_slice %arg6[%dma_start3A_433, %dma_start3A_434, %dma_start3A_440] : memref<2x8x128xi32, #tpu.memory_space<vmem>> -> memref<1x1x128xi32, #tpu.memory_space<vmem>>
      %dma_start3A_442 = tpu.memref_squeeze %dma_start3A_441 : memref<1x1x128xi32, #tpu.memory_space<vmem>> -> memref<128xi32, #tpu.memory_space<vmem>>
      %dma_start3A_443 = arith.constant 0 : i32
      %dma_start3A_444 = arith.constant 0 : i32
      %dma_start3A_445 = tpu.memref_slice %arg5[%dma_start3A_443, %dma_start3A_444] : memref<17x128xf32, #tpu.memory_space<vmem_shared>> -> memref<17x128xf32, #tpu.memory_space<vmem_shared>>
      tpu.enqueue_indirect_dma source(%dma_start3A_445 : memref<17x128xf32, #tpu.memory_space<vmem_shared>>) target(%dma_start3A_439 : memref<128x128xf32, #tpu.memory_space<vmem>>) offsets(%dma_start3A_442 : memref<128xi32, #tpu.memory_space<vmem>>) semaphore(%arg10 : memref<!tpu.dma_semaphore, #tpu.memory_space<semaphore_mem>>)
      %dma_wait3A_446 = arith.constant 0 : i32
      %dma_wait3A_447 = arith.constant 5 : i32
      %dma_wait3A_448 = arith.constant 0 : i32
      %dma_wait3A_449 = arith.constant 128 : i32
      %dma_wait3A_450 = arith.constant 0 : i32
      %dma_wait3A_451 = tpu.memref_slice %arg7[%dma_wait3A_448, %dma_wait3A_449, %dma_wait3A_450] : memref<2x256x128xf32, #tpu.memory_space<vmem>> -> memref<1x128x128xf32, #tpu.memory_space<vmem>>
      %dma_wait3A_452 = tpu.memref_squeeze %dma_wait3A_451 : memref<1x128x128xf32, #tpu.memory_space<vmem>> -> memref<128x128xf32, #tpu.memory_space<vmem>>
      %dma_wait3A_453 = arith.constant 0 : i32
      %dma_wait3A_454 = tpu.memref_slice %arg6[%dma_wait3A_446, %dma_wait3A_447, %dma_wait3A_453] : memref<2x8x128xi32, #tpu.memory_space<vmem>> -> memref<1x1x128xi32, #tpu.memory_space<vmem>>
      %dma_wait3A_455 = tpu.memref_squeeze %dma_wait3A_454 : memref<1x1x128xi32, #tpu.memory_space<vmem>> -> memref<128xi32, #tpu.memory_space<vmem>>
      %dma_wait3A_456 = arith.constant 0 : i32
      %dma_wait3A_457 = arith.constant 0 : i32
      %dma_wait3A_458 = tpu.memref_slice %arg5[%dma_wait3A_456, %dma_wait3A_457] : memref<17x128xf32, #tpu.memory_space<vmem_shared>> -> memref<17x128xf32, #tpu.memory_space<vmem_shared>>
      tpu.wait_indirect_dma semaphore(%arg11 : memref<!tpu.dma_semaphore, #tpu.memory_space<semaphore_mem>>) src(%dma_wait3A_458 : memref<17x128xf32, #tpu.memory_space<vmem_shared>>) dst(%dma_wait3A_452 : memref<128x128xf32, #tpu.memory_space<vmem>>)
      %jit3A_459 = arith.constant 2 : i32
      %div3A_460 = arith.divsi %add3A_384, %jit3A_459 : i32
      %sign3A_461 = arith.constant 0 : i32
      %sign3A_462 = arith.cmpi sgt, %add3A_384, %sign3A_461 : i32
      %sign3A_463 = arith.extui %sign3A_462 : i1 to i32
      %sign3A_464 = arith.constant 0 : i32
      %sign3A_465 = arith.cmpi slt, %add3A_384, %sign3A_464 : i32
      %sign3A_466 = arith.extui %sign3A_465 : i1 to i32
      %sign3A_467 = arith.subi %sign3A_463, %sign3A_466 : i32
      %sign3A_468 = arith.constant 0 : i32
      %sign3A_469 = arith.cmpi sgt, %jit3A_459, %sign3A_468 : i32
      %sign3A_470 = arith.extui %sign3A_469 : i1 to i32
      %sign3A_471 = arith.constant 0 : i32
      %sign3A_472 = arith.cmpi slt, %jit3A_459, %sign3A_471 : i32
      %sign3A_473 = arith.extui %sign3A_472 : i1 to i32
      %sign3A_474 = arith.subi %sign3A_470, %sign3A_473 : i32
      %ne3A_475 = arith.cmpi ne, %sign3A_467, %sign3A_474 : i32
      %rem3A_476 = arith.remsi %add3A_384, %jit3A_459 : i32
      %ne3A_477 = arith.constant 0 : i32
      %ne3A_478 = arith.cmpi ne, %rem3A_476, %ne3A_477 : i32
      %and3A_479 = arith.andi %ne3A_475, %ne3A_478 : i1
      %sub3A_480 = arith.constant 1 : i32
      %sub3A_481 = arith.subi %div3A_460, %sub3A_480 : i32
      %select_n3A_482 = arith.select %and3A_479, %sub3A_481, %div3A_460 : i32
      %mul3A_483 = arith.constant 2 : i32
      %mul3A_484 = arith.muli %select_n3A_482, %mul3A_483 : i32
      %mul3A_485 = arith.constant 128 : i32
      %mul3A_486 = arith.muli %mul3A_484, %mul3A_485 : i32
      %add3A_487 = arith.addi %mul3A_2, %mul3A_486 : i32
      %dma_start3A_488 = arith.constant 0 : i32
      %dma_start3A_489 = arith.constant 0 : i32
      %dma_start3A_490 = arith.constant 0 : i32
      %dma_start3A_491 = tpu.memref_slice %arg7[%dma_start3A_488, %dma_start3A_489, %dma_start3A_490] : memref<2x256x128xf32, #tpu.memory_space<vmem>> -> memref<1x256x128xf32, #tpu.memory_space<vmem>>
      %dma_start3A_492 = tpu.memref_squeeze %dma_start3A_491 : memref<1x256x128xf32, #tpu.memory_space<vmem>> -> memref<256x128xf32, #tpu.memory_space<vmem>>
      %dma_start3A_493 = arith.constant 0 : i32
      %dma_start3A_494 = tpu.memref_slice %arg4[%add3A_487, %dma_start3A_493] : memref<3276800x128xf32, #tpu.memory_space<hbm>> -> memref<256x128xf32, #tpu.memory_space<hbm>>
      %dma_start3A_495 = arith.constant 0 : i32
      %dma_start3A_496 = tpu.memref_slice %arg4[%add3A_487, %dma_start3A_495] : memref<3276800x128xf32, #tpu.memory_space<hbm>> -> memref<256x128xf32, #tpu.memory_space<hbm>>
      %dma_start3A_497 = arith.constant 0 : i32
      %dma_start3A_498 = arith.constant 0 : i32
      %dma_start3A_499 = tpu.memref_slice %arg7[%dma_start3A_488, %dma_start3A_497, %dma_start3A_498] : memref<2x256x128xf32, #tpu.memory_space<vmem>> -> memref<1x256x128xf32, #tpu.memory_space<vmem>>
      %dma_start3A_500 = tpu.memref_squeeze %dma_start3A_499 : memref<1x256x128xf32, #tpu.memory_space<vmem>> -> memref<256x128xf32, #tpu.memory_space<vmem>>
      tpu.enqueue_dma source(%dma_start3A_500 : memref<256x128xf32, #tpu.memory_space<vmem>>) target(%dma_start3A_496 : memref<256x128xf32, #tpu.memory_space<hbm>>) target_semaphore(%arg12 : memref<!tpu.dma_semaphore, #tpu.memory_space<semaphore_mem>>)
      %mul3A_501 = arith.constant 8 : i32
      %mul3A_502 = arith.muli %add3A_104, %mul3A_501 : i32
      %add3A_503 = arith.constant 6 : i32
      %add3A_504 = arith.addi %mul3A_502, %add3A_503 : i32
      %add3A_505 = arith.constant 1 : i32
      %add3A_506 = arith.addi %add3A_504, %add3A_505 : i32
      %dma_start3A_507 = arith.constant 0 : i32
      %dma_start3A_508 = arith.constant 7 : i32
      %dma_start3A_509 = arith.constant 1 : i32
      %dma_start3A_510 = arith.constant 128 : i32
      %dma_start3A_511 = arith.constant 0 : i32
      %dma_start3A_512 = tpu.memref_slice %arg7[%dma_start3A_509, %dma_start3A_510, %dma_start3A_511] : memref<2x256x128xf32, #tpu.memory_space<vmem>> -> memref<1x128x128xf32, #tpu.memory_space<vmem>>
      %dma_start3A_513 = tpu.memref_squeeze %dma_start3A_512 : memref<1x128x128xf32, #tpu.memory_space<vmem>> -> memref<128x128xf32, #tpu.memory_space<vmem>>
      %dma_start3A_514 = arith.constant 0 : i32
      %dma_start3A_515 = tpu.memref_slice %arg6[%dma_start3A_507, %dma_start3A_508, %dma_start3A_514] : memref<2x8x128xi32, #tpu.memory_space<vmem>> -> memref<1x1x128xi32, #tpu.memory_space<vmem>>
      %dma_start3A_516 = tpu.memref_squeeze %dma_start3A_515 : memref<1x1x128xi32, #tpu.memory_space<vmem>> -> memref<128xi32, #tpu.memory_space<vmem>>
      %dma_start3A_517 = arith.constant 0 : i32
      %dma_start3A_518 = arith.constant 0 : i32
      %dma_start3A_519 = tpu.memref_slice %arg5[%dma_start3A_517, %dma_start3A_518] : memref<17x128xf32, #tpu.memory_space<vmem_shared>> -> memref<17x128xf32, #tpu.memory_space<vmem_shared>>
      tpu.enqueue_indirect_dma source(%dma_start3A_519 : memref<17x128xf32, #tpu.memory_space<vmem_shared>>) target(%dma_start3A_513 : memref<128x128xf32, #tpu.memory_space<vmem>>) offsets(%dma_start3A_516 : memref<128xi32, #tpu.memory_space<vmem>>) semaphore(%arg11 : memref<!tpu.dma_semaphore, #tpu.memory_space<semaphore_mem>>)
      %dma_wait3A_520 = arith.constant 0 : i32
      %dma_wait3A_521 = arith.constant 6 : i32
      %dma_wait3A_522 = arith.constant 1 : i32
      %dma_wait3A_523 = arith.constant 0 : i32
      %dma_wait3A_524 = arith.constant 0 : i32
      %dma_wait3A_525 = tpu.memref_slice %arg7[%dma_wait3A_522, %dma_wait3A_523, %dma_wait3A_524] : memref<2x256x128xf32, #tpu.memory_space<vmem>> -> memref<1x128x128xf32, #tpu.memory_space<vmem>>
      %dma_wait3A_526 = tpu.memref_squeeze %dma_wait3A_525 : memref<1x128x128xf32, #tpu.memory_space<vmem>> -> memref<128x128xf32, #tpu.memory_space<vmem>>
      %dma_wait3A_527 = arith.constant 0 : i32
      %dma_wait3A_528 = tpu.memref_slice %arg6[%dma_wait3A_520, %dma_wait3A_521, %dma_wait3A_527] : memref<2x8x128xi32, #tpu.memory_space<vmem>> -> memref<1x1x128xi32, #tpu.memory_space<vmem>>
      %dma_wait3A_529 = tpu.memref_squeeze %dma_wait3A_528 : memref<1x1x128xi32, #tpu.memory_space<vmem>> -> memref<128xi32, #tpu.memory_space<vmem>>
      %dma_wait3A_530 = arith.constant 0 : i32
      %dma_wait3A_531 = arith.constant 0 : i32
      %dma_wait3A_532 = tpu.memref_slice %arg5[%dma_wait3A_530, %dma_wait3A_531] : memref<17x128xf32, #tpu.memory_space<vmem_shared>> -> memref<17x128xf32, #tpu.memory_space<vmem_shared>>
      tpu.wait_indirect_dma semaphore(%arg10 : memref<!tpu.dma_semaphore, #tpu.memory_space<semaphore_mem>>) src(%dma_wait3A_532 : memref<17x128xf32, #tpu.memory_space<vmem_shared>>) dst(%dma_wait3A_526 : memref<128x128xf32, #tpu.memory_space<vmem>>)
      %mul3A_533 = arith.constant 8 : i32
      %mul3A_534 = arith.muli %add3A_104, %mul3A_533 : i32
      %add3A_535 = arith.constant 7 : i32
      %add3A_536 = arith.addi %mul3A_534, %add3A_535 : i32
      %add3A_537 = arith.constant 1 : i32
      %add3A_538 = arith.addi %add3A_104, %add3A_537 : i32
      %mul3A_539 = arith.constant 8 : i32
      %mul3A_540 = arith.muli %add3A_538, %mul3A_539 : i32
      %add3A_541 = arith.addi %mul3A_4, %mul3A_540 : i32
      %multiple_of3A_542 = tpu.assume_multiple %add3A_541, 8 : i32
      %dma_wait3A_543 = arith.constant 1 : i32
      %dma_wait3A_544 = arith.constant 0 : i32
      %dma_wait3A_545 = arith.constant 0 : i32
      %dma_wait3A_546 = tpu.memref_slice %arg6[%dma_wait3A_543, %dma_wait3A_544, %dma_wait3A_545] : memref<2x8x128xi32, #tpu.memory_space<vmem>> -> memref<1x8x128xi32, #tpu.memory_space<vmem>>
      %dma_wait3A_547 = tpu.memref_squeeze %dma_wait3A_546 : memref<1x8x128xi32, #tpu.memory_space<vmem>> -> memref<8x128xi32, #tpu.memory_space<vmem>>
      %dma_wait3A_548 = arith.constant 0 : i32
      %dma_wait3A_549 = tpu.memref_slice %arg2[%multiple_of3A_542, %dma_wait3A_548] : memref<25600x128xi32, #tpu.memory_space<hbm>> -> memref<8x128xi32, #tpu.memory_space<hbm>>
      %dma_wait3A_550 = arith.constant 0 : i32
      %dma_wait3A_551 = arith.constant 0 : i32
      %dma_wait3A_552 = tpu.memref_slice %arg6[%dma_wait3A_543, %dma_wait3A_550, %dma_wait3A_551] : memref<2x8x128xi32, #tpu.memory_space<vmem>> -> memref<1x8x128xi32, #tpu.memory_space<vmem>>
      %dma_wait3A_553 = tpu.memref_squeeze %dma_wait3A_552 : memref<1x8x128xi32, #tpu.memory_space<vmem>> -> memref<8x128xi32, #tpu.memory_space<vmem>>
      %dma_wait3A_554 = arith.constant 0 : i32
      %dma_wait3A_555 = tpu.memref_slice %arg2[%multiple_of3A_542, %dma_wait3A_554] : memref<25600x128xi32, #tpu.memory_space<hbm>> -> memref<8x128xi32, #tpu.memory_space<hbm>>
      tpu.wait_dma2 semaphore(%arg9 : memref<!tpu.dma_semaphore, #tpu.memory_space<semaphore_mem>>) src(%dma_wait3A_555 : memref<8x128xi32, #tpu.memory_space<hbm>>) dst(%dma_wait3A_553 : memref<8x128xi32, #tpu.memory_space<vmem>>)
      %add3A_556 = arith.constant 1 : i32
      %add3A_557 = arith.addi %add3A_536, %add3A_556 : i32
      %jit3A_558 = arith.constant 2 : i32
      %div3A_559 = arith.divsi %add3A_557, %jit3A_558 : i32
      %sign3A_560 = arith.constant 0 : i32
      %sign3A_561 = arith.cmpi sgt, %add3A_557, %sign3A_560 : i32
      %sign3A_562 = arith.extui %sign3A_561 : i1 to i32
      %sign3A_563 = arith.constant 0 : i32
      %sign3A_564 = arith.cmpi slt, %add3A_557, %sign3A_563 : i32
      %sign3A_565 = arith.extui %sign3A_564 : i1 to i32
      %sign3A_566 = arith.subi %sign3A_562, %sign3A_565 : i32
      %sign3A_567 = arith.constant 0 : i32
      %sign3A_568 = arith.cmpi sgt, %jit3A_558, %sign3A_567 : i32
      %sign3A_569 = arith.extui %sign3A_568 : i1 to i32
      %sign3A_570 = arith.constant 0 : i32
      %sign3A_571 = arith.cmpi slt, %jit3A_558, %sign3A_570 : i32
      %sign3A_572 = arith.extui %sign3A_571 : i1 to i32
      %sign3A_573 = arith.subi %sign3A_569, %sign3A_572 : i32
      %ne3A_574 = arith.cmpi ne, %sign3A_566, %sign3A_573 : i32
      %rem3A_575 = arith.remsi %add3A_557, %jit3A_558 : i32
      %ne3A_576 = arith.constant 0 : i32
      %ne3A_577 = arith.cmpi ne, %rem3A_575, %ne3A_576 : i32
      %and3A_578 = arith.andi %ne3A_574, %ne3A_577 : i1
      %sub3A_579 = arith.constant 1 : i32
      %sub3A_580 = arith.subi %div3A_559, %sub3A_579 : i32
      %select_n3A_581 = arith.select %and3A_578, %sub3A_580, %div3A_559 : i32
      %sub3A_582 = arith.constant 2 : i32
      %sub3A_583 = arith.subi %select_n3A_581, %sub3A_582 : i32
      %mul3A_584 = arith.constant 2 : i32
      %mul3A_585 = arith.muli %sub3A_583, %mul3A_584 : i32
      %mul3A_586 = arith.constant 128 : i32
      %mul3A_587 = arith.muli %mul3A_585, %mul3A_586 : i32
      %add3A_588 = arith.addi %mul3A_2, %mul3A_587 : i32
      %dma_wait3A_589 = arith.constant 0 : i32
      %dma_wait3A_590 = arith.constant 0 : i32
      %dma_wait3A_591 = arith.constant 0 : i32
      %dma_wait3A_592 = tpu.memref_slice %arg7[%dma_wait3A_589, %dma_wait3A_590, %dma_wait3A_591] : memref<2x256x128xf32, #tpu.memory_space<vmem>> -> memref<1x256x128xf32, #tpu.memory_space<vmem>>
      %dma_wait3A_593 = tpu.memref_squeeze %dma_wait3A_592 : memref<1x256x128xf32, #tpu.memory_space<vmem>> -> memref<256x128xf32, #tpu.memory_space<vmem>>
      %dma_wait3A_594 = arith.constant 0 : i32
      %dma_wait3A_595 = tpu.memref_slice %arg4[%add3A_588, %dma_wait3A_594] : memref<3276800x128xf32, #tpu.memory_space<hbm>> -> memref<256x128xf32, #tpu.memory_space<hbm>>
      %dma_wait3A_596 = arith.constant 0 : i32
      %dma_wait3A_597 = tpu.memref_slice %arg4[%add3A_588, %dma_wait3A_596] : memref<3276800x128xf32, #tpu.memory_space<hbm>> -> memref<256x128xf32, #tpu.memory_space<hbm>>
      %dma_wait3A_598 = arith.constant 0 : i32
      %dma_wait3A_599 = arith.constant 0 : i32
      %dma_wait3A_600 = tpu.memref_slice %arg7[%dma_wait3A_589, %dma_wait3A_598, %dma_wait3A_599] : memref<2x256x128xf32, #tpu.memory_space<vmem>> -> memref<1x256x128xf32, #tpu.memory_space<vmem>>
      %dma_wait3A_601 = tpu.memref_squeeze %dma_wait3A_600 : memref<1x256x128xf32, #tpu.memory_space<vmem>> -> memref<256x128xf32, #tpu.memory_space<vmem>>
      tpu.wait_dma2 semaphore(%arg12 : memref<!tpu.dma_semaphore, #tpu.memory_space<semaphore_mem>>) src(%dma_wait3A_601 : memref<256x128xf32, #tpu.memory_space<vmem>>) dst(%dma_wait3A_597 : memref<256x128xf32, #tpu.memory_space<hbm>>)
      %add3A_602 = arith.constant 1 : i32
      %add3A_603 = arith.addi %add3A_536, %add3A_602 : i32
      %dma_start3A_604 = arith.constant 1 : i32
      %dma_start3A_605 = arith.constant 0 : i32
      %dma_start3A_606 = arith.constant 0 : i32
      %dma_start3A_607 = arith.constant 0 : i32
      %dma_start3A_608 = arith.constant 0 : i32
      %dma_start3A_609 = tpu.memref_slice %arg7[%dma_start3A_606, %dma_start3A_607, %dma_start3A_608] : memref<2x256x128xf32, #tpu.memory_space<vmem>> -> memref<1x128x128xf32, #tpu.memory_space<vmem>>
      %dma_start3A_610 = tpu.memref_squeeze %dma_start3A_609 : memref<1x128x128xf32, #tpu.memory_space<vmem>> -> memref<128x128xf32, #tpu.memory_space<vmem>>
      %dma_start3A_611 = arith.constant 0 : i32
      %dma_start3A_612 = tpu.memref_slice %arg6[%dma_start3A_604, %dma_start3A_605, %dma_start3A_611] : memref<2x8x128xi32, #tpu.memory_space<vmem>> -> memref<1x1x128xi32, #tpu.memory_space<vmem>>
      %dma_start3A_613 = tpu.memref_squeeze %dma_start3A_612 : memref<1x1x128xi32, #tpu.memory_space<vmem>> -> memref<128xi32, #tpu.memory_space<vmem>>
      %dma_start3A_614 = arith.constant 0 : i32
      %dma_start3A_615 = arith.constant 0 : i32
      %dma_start3A_616 = tpu.memref_slice %arg5[%dma_start3A_614, %dma_start3A_615] : memref<17x128xf32, #tpu.memory_space<vmem_shared>> -> memref<17x128xf32, #tpu.memory_space<vmem_shared>>
      tpu.enqueue_indirect_dma source(%dma_start3A_616 : memref<17x128xf32, #tpu.memory_space<vmem_shared>>) target(%dma_start3A_610 : memref<128x128xf32, #tpu.memory_space<vmem>>) offsets(%dma_start3A_613 : memref<128xi32, #tpu.memory_space<vmem>>) semaphore(%arg10 : memref<!tpu.dma_semaphore, #tpu.memory_space<semaphore_mem>>)
      %dma_wait3A_617 = arith.constant 0 : i32
      %dma_wait3A_618 = arith.constant 7 : i32
      %dma_wait3A_619 = arith.constant 1 : i32
      %dma_wait3A_620 = arith.constant 128 : i32
      %dma_wait3A_621 = arith.constant 0 : i32
      %dma_wait3A_622 = tpu.memref_slice %arg7[%dma_wait3A_619, %dma_wait3A_620, %dma_wait3A_621] : memref<2x256x128xf32, #tpu.memory_space<vmem>> -> memref<1x128x128xf32, #tpu.memory_space<vmem>>
      %dma_wait3A_623 = tpu.memref_squeeze %dma_wait3A_622 : memref<1x128x128xf32, #tpu.memory_space<vmem>> -> memref<128x128xf32, #tpu.memory_space<vmem>>
      %dma_wait3A_624 = arith.constant 0 : i32
      %dma_wait3A_625 = tpu.memref_slice %arg6[%dma_wait3A_617, %dma_wait3A_618, %dma_wait3A_624] : memref<2x8x128xi32, #tpu.memory_space<vmem>> -> memref<1x1x128xi32, #tpu.memory_space<vmem>>
      %dma_wait3A_626 = tpu.memref_squeeze %dma_wait3A_625 : memref<1x1x128xi32, #tpu.memory_space<vmem>> -> memref<128xi32, #tpu.memory_space<vmem>>
      %dma_wait3A_627 = arith.constant 0 : i32
      %dma_wait3A_628 = arith.constant 0 : i32
      %dma_wait3A_629 = tpu.memref_slice %arg5[%dma_wait3A_627, %dma_wait3A_628] : memref<17x128xf32, #tpu.memory_space<vmem_shared>> -> memref<17x128xf32, #tpu.memory_space<vmem_shared>>
      tpu.wait_indirect_dma semaphore(%arg11 : memref<!tpu.dma_semaphore, #tpu.memory_space<semaphore_mem>>) src(%dma_wait3A_629 : memref<17x128xf32, #tpu.memory_space<vmem_shared>>) dst(%dma_wait3A_623 : memref<128x128xf32, #tpu.memory_space<vmem>>)
      %jit3A_630 = arith.constant 2 : i32
      %div3A_631 = arith.divsi %add3A_536, %jit3A_630 : i32
      %sign3A_632 = arith.constant 0 : i32
      %sign3A_633 = arith.cmpi sgt, %add3A_536, %sign3A_632 : i32
      %sign3A_634 = arith.extui %sign3A_633 : i1 to i32
      %sign3A_635 = arith.constant 0 : i32
      %sign3A_636 = arith.cmpi slt, %add3A_536, %sign3A_635 : i32
      %sign3A_637 = arith.extui %sign3A_636 : i1 to i32
      %sign3A_638 = arith.subi %sign3A_634, %sign3A_637 : i32
      %sign3A_639 = arith.constant 0 : i32
      %sign3A_640 = arith.cmpi sgt, %jit3A_630, %sign3A_639 : i32
      %sign3A_641 = arith.extui %sign3A_640 : i1 to i32
      %sign3A_642 = arith.constant 0 : i32
      %sign3A_643 = arith.cmpi slt, %jit3A_630, %sign3A_642 : i32
      %sign3A_644 = arith.extui %sign3A_643 : i1 to i32
      %sign3A_645 = arith.subi %sign3A_641, %sign3A_644 : i32
      %ne3A_646 = arith.cmpi ne, %sign3A_638, %sign3A_645 : i32
      %rem3A_647 = arith.remsi %add3A_536, %jit3A_630 : i32
      %ne3A_648 = arith.constant 0 : i32
      %ne3A_649 = arith.cmpi ne, %rem3A_647, %ne3A_648 : i32
      %and3A_650 = arith.andi %ne3A_646, %ne3A_649 : i1
      %sub3A_651 = arith.constant 1 : i32
      %sub3A_652 = arith.subi %div3A_631, %sub3A_651 : i32
      %select_n3A_653 = arith.select %and3A_650, %sub3A_652, %div3A_631 : i32
      %mul3A_654 = arith.constant 2 : i32
      %mul3A_655 = arith.muli %select_n3A_653, %mul3A_654 : i32
      %mul3A_656 = arith.constant 128 : i32
      %mul3A_657 = arith.muli %mul3A_655, %mul3A_656 : i32
      %add3A_658 = arith.addi %mul3A_2, %mul3A_657 : i32
      %dma_start3A_659 = arith.constant 1 : i32
      %dma_start3A_660 = arith.constant 0 : i32
      %dma_start3A_661 = arith.constant 0 : i32
      %dma_start3A_662 = tpu.memref_slice %arg7[%dma_start3A_659, %dma_start3A_660, %dma_start3A_661] : memref<2x256x128xf32, #tpu.memory_space<vmem>> -> memref<1x256x128xf32, #tpu.memory_space<vmem>>
      %dma_start3A_663 = tpu.memref_squeeze %dma_start3A_662 : memref<1x256x128xf32, #tpu.memory_space<vmem>> -> memref<256x128xf32, #tpu.memory_space<vmem>>
      %dma_start3A_664 = arith.constant 0 : i32
      %dma_start3A_665 = tpu.memref_slice %arg4[%add3A_658, %dma_start3A_664] : memref<3276800x128xf32, #tpu.memory_space<hbm>> -> memref<256x128xf32, #tpu.memory_space<hbm>>
      %dma_start3A_666 = arith.constant 0 : i32
      %dma_start3A_667 = tpu.memref_slice %arg4[%add3A_658, %dma_start3A_666] : memref<3276800x128xf32, #tpu.memory_space<hbm>> -> memref<256x128xf32, #tpu.memory_space<hbm>>
      %dma_start3A_668 = arith.constant 0 : i32
      %dma_start3A_669 = arith.constant 0 : i32
      %dma_start3A_670 = tpu.memref_slice %arg7[%dma_start3A_659, %dma_start3A_668, %dma_start3A_669] : memref<2x256x128xf32, #tpu.memory_space<vmem>> -> memref<1x256x128xf32, #tpu.memory_space<vmem>>
      %dma_start3A_671 = tpu.memref_squeeze %dma_start3A_670 : memref<1x256x128xf32, #tpu.memory_space<vmem>> -> memref<256x128xf32, #tpu.memory_space<vmem>>
      tpu.enqueue_dma source(%dma_start3A_671 : memref<256x128xf32, #tpu.memory_space<vmem>>) target(%dma_start3A_667 : memref<256x128xf32, #tpu.memory_space<hbm>>) target_semaphore(%arg13 : memref<!tpu.dma_semaphore, #tpu.memory_space<semaphore_mem>>)
      %lt3A = arith.constant 49 : i32
      %lt3A_672 = arith.cmpi slt, %scan3A_100, %lt3A : i32
      %convert_element_type3A_673 = arith.extui %lt3A_672 : i1 to i32
      %cond3A_674 = arith.constant 0 : i32
      %cond3A_675 = arith.cmpi ne, %convert_element_type3A_673, %cond3A_674 : i32
      scf.if %cond3A_675 {
        %add3A_1237 = arith.constant 2 : i32
        %add3A_1238 = arith.addi %add3A_104, %add3A_1237 : i32
        %mul3A_1239 = arith.constant 8 : i32
        %mul3A_1240 = arith.muli %add3A_1238, %mul3A_1239 : i32
        %add3A_1241 = arith.addi %mul3A_4, %mul3A_1240 : i32
        %multiple_of3A_1242 = tpu.assume_multiple %add3A_1241, 8 : i32
        %dma_start3A_1243 = arith.constant 0 : i32
        %dma_start3A_1244 = arith.constant 0 : i32
        %dma_start3A_1245 = arith.constant 0 : i32
        %dma_start3A_1246 = tpu.memref_slice %arg6[%dma_start3A_1243, %dma_start3A_1244, %dma_start3A_1245] : memref<2x8x128xi32, #tpu.memory_space<vmem>> -> memref<1x8x128xi32, #tpu.memory_space<vmem>>
        %dma_start3A_1247 = tpu.memref_squeeze %dma_start3A_1246 : memref<1x8x128xi32, #tpu.memory_space<vmem>> -> memref<8x128xi32, #tpu.memory_space<vmem>>
        %dma_start3A_1248 = arith.constant 0 : i32
        %dma_start3A_1249 = tpu.memref_slice %arg2[%multiple_of3A_1242, %dma_start3A_1248] : memref<25600x128xi32, #tpu.memory_space<hbm>> -> memref<8x128xi32, #tpu.memory_space<hbm>>
        %dma_start3A_1250 = arith.constant 0 : i32
        %dma_start3A_1251 = arith.constant 0 : i32
        %dma_start3A_1252 = tpu.memref_slice %arg6[%dma_start3A_1243, %dma_start3A_1250, %dma_start3A_1251] : memref<2x8x128xi32, #tpu.memory_space<vmem>> -> memref<1x8x128xi32, #tpu.memory_space<vmem>>
        %dma_start3A_1253 = tpu.memref_squeeze %dma_start3A_1252 : memref<1x8x128xi32, #tpu.memory_space<vmem>> -> memref<8x128xi32, #tpu.memory_space<vmem>>
        %dma_start3A_1254 = arith.constant 0 : i32
        %dma_start3A_1255 = tpu.memref_slice %arg2[%multiple_of3A_1242, %dma_start3A_1254] : memref<25600x128xi32, #tpu.memory_space<hbm>> -> memref<8x128xi32, #tpu.memory_space<hbm>>
        tpu.enqueue_dma source(%dma_start3A_1255 : memref<8x128xi32, #tpu.memory_space<hbm>>) target(%dma_start3A_1253 : memref<8x128xi32, #tpu.memory_space<vmem>>) target_semaphore(%arg8 : memref<!tpu.dma_semaphore, #tpu.memory_space<semaphore_mem>>)
      } else {
      }
      %mul3A_676 = arith.constant 2 : i32
      %mul3A_677 = arith.muli %scan3A_100, %mul3A_676 : i32
      %add3A_678 = arith.constant 1 : i32
      %add3A_679 = arith.addi %mul3A_677, %add3A_678 : i32
      %mul3A_680 = arith.constant 8 : i32
      %mul3A_681 = arith.muli %add3A_679, %mul3A_680 : i32
      %add3A_682 = arith.constant 0 : i32
      %add3A_683 = arith.addi %mul3A_681, %add3A_682 : i32
      %add3A_684 = arith.constant 1 : i32
      %add3A_685 = arith.addi %add3A_683, %add3A_684 : i32
      %dma_start3A_686 = arith.constant 1 : i32
      %dma_start3A_687 = arith.constant 1 : i32
      %dma_start3A_688 = arith.constant 0 : i32
      %dma_start3A_689 = arith.constant 128 : i32
      %dma_start3A_690 = arith.constant 0 : i32
      %dma_start3A_691 = tpu.memref_slice %arg7[%dma_start3A_688, %dma_start3A_689, %dma_start3A_690] : memref<2x256x128xf32, #tpu.memory_space<vmem>> -> memref<1x128x128xf32, #tpu.memory_space<vmem>>
      %dma_start3A_692 = tpu.memref_squeeze %dma_start3A_691 : memref<1x128x128xf32, #tpu.memory_space<vmem>> -> memref<128x128xf32, #tpu.memory_space<vmem>>
      %dma_start3A_693 = arith.constant 0 : i32
      %dma_start3A_694 = tpu.memref_slice %arg6[%dma_start3A_686, %dma_start3A_687, %dma_start3A_693] : memref<2x8x128xi32, #tpu.memory_space<vmem>> -> memref<1x1x128xi32, #tpu.memory_space<vmem>>
      %dma_start3A_695 = tpu.memref_squeeze %dma_start3A_694 : memref<1x1x128xi32, #tpu.memory_space<vmem>> -> memref<128xi32, #tpu.memory_space<vmem>>
      %dma_start3A_696 = arith.constant 0 : i32
      %dma_start3A_697 = arith.constant 0 : i32
      %dma_start3A_698 = tpu.memref_slice %arg5[%dma_start3A_696, %dma_start3A_697] : memref<17x128xf32, #tpu.memory_space<vmem_shared>> -> memref<17x128xf32, #tpu.memory_space<vmem_shared>>
      tpu.enqueue_indirect_dma source(%dma_start3A_698 : memref<17x128xf32, #tpu.memory_space<vmem_shared>>) target(%dma_start3A_692 : memref<128x128xf32, #tpu.memory_space<vmem>>) offsets(%dma_start3A_695 : memref<128xi32, #tpu.memory_space<vmem>>) semaphore(%arg11 : memref<!tpu.dma_semaphore, #tpu.memory_space<semaphore_mem>>)
      %dma_wait3A_699 = arith.constant 1 : i32
      %dma_wait3A_700 = arith.constant 0 : i32
      %dma_wait3A_701 = arith.constant 0 : i32
      %dma_wait3A_702 = arith.constant 0 : i32
      %dma_wait3A_703 = arith.constant 0 : i32
      %dma_wait3A_704 = tpu.memref_slice %arg7[%dma_wait3A_701, %dma_wait3A_702, %dma_wait3A_703] : memref<2x256x128xf32, #tpu.memory_space<vmem>> -> memref<1x128x128xf32, #tpu.memory_space<vmem>>
      %dma_wait3A_705 = tpu.memref_squeeze %dma_wait3A_704 : memref<1x128x128xf32, #tpu.memory_space<vmem>> -> memref<128x128xf32, #tpu.memory_space<vmem>>
      %dma_wait3A_706 = arith.constant 0 : i32
      %dma_wait3A_707 = tpu.memref_slice %arg6[%dma_wait3A_699, %dma_wait3A_700, %dma_wait3A_706] : memref<2x8x128xi32, #tpu.memory_space<vmem>> -> memref<1x1x128xi32, #tpu.memory_space<vmem>>
      %dma_wait3A_708 = tpu.memref_squeeze %dma_wait3A_707 : memref<1x1x128xi32, #tpu.memory_space<vmem>> -> memref<128xi32, #tpu.memory_space<vmem>>
      %dma_wait3A_709 = arith.constant 0 : i32
      %dma_wait3A_710 = arith.constant 0 : i32
      %dma_wait3A_711 = tpu.memref_slice %arg5[%dma_wait3A_709, %dma_wait3A_710] : memref<17x128xf32, #tpu.memory_space<vmem_shared>> -> memref<17x128xf32, #tpu.memory_space<vmem_shared>>
      tpu.wait_indirect_dma semaphore(%arg10 : memref<!tpu.dma_semaphore, #tpu.memory_space<semaphore_mem>>) src(%dma_wait3A_711 : memref<17x128xf32, #tpu.memory_space<vmem_shared>>) dst(%dma_wait3A_705 : memref<128x128xf32, #tpu.memory_space<vmem>>)
      %mul3A_712 = arith.constant 8 : i32
      %mul3A_713 = arith.muli %add3A_679, %mul3A_712 : i32
      %add3A_714 = arith.constant 1 : i32
      %add3A_715 = arith.addi %mul3A_713, %add3A_714 : i32
      %add3A_716 = arith.constant 1 : i32
      %add3A_717 = arith.addi %add3A_715, %add3A_716 : i32
      %jit3A_718 = arith.constant 2 : i32
      %div3A_719 = arith.divsi %add3A_717, %jit3A_718 : i32
      %sign3A_720 = arith.constant 0 : i32
      %sign3A_721 = arith.cmpi sgt, %add3A_717, %sign3A_720 : i32
      %sign3A_722 = arith.extui %sign3A_721 : i1 to i32
      %sign3A_723 = arith.constant 0 : i32
      %sign3A_724 = arith.cmpi slt, %add3A_717, %sign3A_723 : i32
      %sign3A_725 = arith.extui %sign3A_724 : i1 to i32
      %sign3A_726 = arith.subi %sign3A_722, %sign3A_725 : i32
      %sign3A_727 = arith.constant 0 : i32
      %sign3A_728 = arith.cmpi sgt, %jit3A_718, %sign3A_727 : i32
      %sign3A_729 = arith.extui %sign3A_728 : i1 to i32
      %sign3A_730 = arith.constant 0 : i32
      %sign3A_731 = arith.cmpi slt, %jit3A_718, %sign3A_730 : i32
      %sign3A_732 = arith.extui %sign3A_731 : i1 to i32
      %sign3A_733 = arith.subi %sign3A_729, %sign3A_732 : i32
      %ne3A_734 = arith.cmpi ne, %sign3A_726, %sign3A_733 : i32
      %rem3A_735 = arith.remsi %add3A_717, %jit3A_718 : i32
      %ne3A_736 = arith.constant 0 : i32
      %ne3A_737 = arith.cmpi ne, %rem3A_735, %ne3A_736 : i32
      %and3A_738 = arith.andi %ne3A_734, %ne3A_737 : i1
      %sub3A_739 = arith.constant 1 : i32
      %sub3A_740 = arith.subi %div3A_719, %sub3A_739 : i32
      %select_n3A_741 = arith.select %and3A_738, %sub3A_740, %div3A_719 : i32
      %sub3A_742 = arith.constant 2 : i32
      %sub3A_743 = arith.subi %select_n3A_741, %sub3A_742 : i32
      %mul3A_744 = arith.constant 2 : i32
      %mul3A_745 = arith.muli %sub3A_743, %mul3A_744 : i32
      %mul3A_746 = arith.constant 128 : i32
      %mul3A_747 = arith.muli %mul3A_745, %mul3A_746 : i32
      %add3A_748 = arith.addi %mul3A_2, %mul3A_747 : i32
      %dma_wait3A_749 = arith.constant 1 : i32
      %dma_wait3A_750 = arith.constant 0 : i32
      %dma_wait3A_751 = arith.constant 0 : i32
      %dma_wait3A_752 = tpu.memref_slice %arg7[%dma_wait3A_749, %dma_wait3A_750, %dma_wait3A_751] : memref<2x256x128xf32, #tpu.memory_space<vmem>> -> memref<1x256x128xf32, #tpu.memory_space<vmem>>
      %dma_wait3A_753 = tpu.memref_squeeze %dma_wait3A_752 : memref<1x256x128xf32, #tpu.memory_space<vmem>> -> memref<256x128xf32, #tpu.memory_space<vmem>>
      %dma_wait3A_754 = arith.constant 0 : i32
      %dma_wait3A_755 = tpu.memref_slice %arg4[%add3A_748, %dma_wait3A_754] : memref<3276800x128xf32, #tpu.memory_space<hbm>> -> memref<256x128xf32, #tpu.memory_space<hbm>>
      %dma_wait3A_756 = arith.constant 0 : i32
      %dma_wait3A_757 = tpu.memref_slice %arg4[%add3A_748, %dma_wait3A_756] : memref<3276800x128xf32, #tpu.memory_space<hbm>> -> memref<256x128xf32, #tpu.memory_space<hbm>>
      %dma_wait3A_758 = arith.constant 0 : i32
      %dma_wait3A_759 = arith.constant 0 : i32
      %dma_wait3A_760 = tpu.memref_slice %arg7[%dma_wait3A_749, %dma_wait3A_758, %dma_wait3A_759] : memref<2x256x128xf32, #tpu.memory_space<vmem>> -> memref<1x256x128xf32, #tpu.memory_space<vmem>>
      %dma_wait3A_761 = tpu.memref_squeeze %dma_wait3A_760 : memref<1x256x128xf32, #tpu.memory_space<vmem>> -> memref<256x128xf32, #tpu.memory_space<vmem>>
      tpu.wait_dma2 semaphore(%arg13 : memref<!tpu.dma_semaphore, #tpu.memory_space<semaphore_mem>>) src(%dma_wait3A_761 : memref<256x128xf32, #tpu.memory_space<vmem>>) dst(%dma_wait3A_757 : memref<256x128xf32, #tpu.memory_space<hbm>>)
      %add3A_762 = arith.constant 1 : i32
      %add3A_763 = arith.addi %add3A_715, %add3A_762 : i32
      %dma_start3A_764 = arith.constant 1 : i32
      %dma_start3A_765 = arith.constant 2 : i32
      %dma_start3A_766 = arith.constant 1 : i32
      %dma_start3A_767 = arith.constant 0 : i32
      %dma_start3A_768 = arith.constant 0 : i32
      %dma_start3A_769 = tpu.memref_slice %arg7[%dma_start3A_766, %dma_start3A_767, %dma_start3A_768] : memref<2x256x128xf32, #tpu.memory_space<vmem>> -> memref<1x128x128xf32, #tpu.memory_space<vmem>>
      %dma_start3A_770 = tpu.memref_squeeze %dma_start3A_769 : memref<1x128x128xf32, #tpu.memory_space<vmem>> -> memref<128x128xf32, #tpu.memory_space<vmem>>
      %dma_start3A_771 = arith.constant 0 : i32
      %dma_start3A_772 = tpu.memref_slice %arg6[%dma_start3A_764, %dma_start3A_765, %dma_start3A_771] : memref<2x8x128xi32, #tpu.memory_space<vmem>> -> memref<1x1x128xi32, #tpu.memory_space<vmem>>
      %dma_start3A_773 = tpu.memref_squeeze %dma_start3A_772 : memref<1x1x128xi32, #tpu.memory_space<vmem>> -> memref<128xi32, #tpu.memory_space<vmem>>
      %dma_start3A_774 = arith.constant 0 : i32
      %dma_start3A_775 = arith.constant 0 : i32
      %dma_start3A_776 = tpu.memref_slice %arg5[%dma_start3A_774, %dma_start3A_775] : memref<17x128xf32, #tpu.memory_space<vmem_shared>> -> memref<17x128xf32, #tpu.memory_space<vmem_shared>>
      tpu.enqueue_indirect_dma source(%dma_start3A_776 : memref<17x128xf32, #tpu.memory_space<vmem_shared>>) target(%dma_start3A_770 : memref<128x128xf32, #tpu.memory_space<vmem>>) offsets(%dma_start3A_773 : memref<128xi32, #tpu.memory_space<vmem>>) semaphore(%arg10 : memref<!tpu.dma_semaphore, #tpu.memory_space<semaphore_mem>>)
      %dma_wait3A_777 = arith.constant 1 : i32
      %dma_wait3A_778 = arith.constant 1 : i32
      %dma_wait3A_779 = arith.constant 0 : i32
      %dma_wait3A_780 = arith.constant 128 : i32
      %dma_wait3A_781 = arith.constant 0 : i32
      %dma_wait3A_782 = tpu.memref_slice %arg7[%dma_wait3A_779, %dma_wait3A_780, %dma_wait3A_781] : memref<2x256x128xf32, #tpu.memory_space<vmem>> -> memref<1x128x128xf32, #tpu.memory_space<vmem>>
      %dma_wait3A_783 = tpu.memref_squeeze %dma_wait3A_782 : memref<1x128x128xf32, #tpu.memory_space<vmem>> -> memref<128x128xf32, #tpu.memory_space<vmem>>
      %dma_wait3A_784 = arith.constant 0 : i32
      %dma_wait3A_785 = tpu.memref_slice %arg6[%dma_wait3A_777, %dma_wait3A_778, %dma_wait3A_784] : memref<2x8x128xi32, #tpu.memory_space<vmem>> -> memref<1x1x128xi32, #tpu.memory_space<vmem>>
      %dma_wait3A_786 = tpu.memref_squeeze %dma_wait3A_785 : memref<1x1x128xi32, #tpu.memory_space<vmem>> -> memref<128xi32, #tpu.memory_space<vmem>>
      %dma_wait3A_787 = arith.constant 0 : i32
      %dma_wait3A_788 = arith.constant 0 : i32
      %dma_wait3A_789 = tpu.memref_slice %arg5[%dma_wait3A_787, %dma_wait3A_788] : memref<17x128xf32, #tpu.memory_space<vmem_shared>> -> memref<17x128xf32, #tpu.memory_space<vmem_shared>>
      tpu.wait_indirect_dma semaphore(%arg11 : memref<!tpu.dma_semaphore, #tpu.memory_space<semaphore_mem>>) src(%dma_wait3A_789 : memref<17x128xf32, #tpu.memory_space<vmem_shared>>) dst(%dma_wait3A_783 : memref<128x128xf32, #tpu.memory_space<vmem>>)
      %jit3A_790 = arith.constant 2 : i32
      %div3A_791 = arith.divsi %add3A_715, %jit3A_790 : i32
      %sign3A_792 = arith.constant 0 : i32
      %sign3A_793 = arith.cmpi sgt, %add3A_715, %sign3A_792 : i32
      %sign3A_794 = arith.extui %sign3A_793 : i1 to i32
      %sign3A_795 = arith.constant 0 : i32
      %sign3A_796 = arith.cmpi slt, %add3A_715, %sign3A_795 : i32
      %sign3A_797 = arith.extui %sign3A_796 : i1 to i32
      %sign3A_798 = arith.subi %sign3A_794, %sign3A_797 : i32
      %sign3A_799 = arith.constant 0 : i32
      %sign3A_800 = arith.cmpi sgt, %jit3A_790, %sign3A_799 : i32
      %sign3A_801 = arith.extui %sign3A_800 : i1 to i32
      %sign3A_802 = arith.constant 0 : i32
      %sign3A_803 = arith.cmpi slt, %jit3A_790, %sign3A_802 : i32
      %sign3A_804 = arith.extui %sign3A_803 : i1 to i32
      %sign3A_805 = arith.subi %sign3A_801, %sign3A_804 : i32
      %ne3A_806 = arith.cmpi ne, %sign3A_798, %sign3A_805 : i32
      %rem3A_807 = arith.remsi %add3A_715, %jit3A_790 : i32
      %ne3A_808 = arith.constant 0 : i32
      %ne3A_809 = arith.cmpi ne, %rem3A_807, %ne3A_808 : i32
      %and3A_810 = arith.andi %ne3A_806, %ne3A_809 : i1
      %sub3A_811 = arith.constant 1 : i32
      %sub3A_812 = arith.subi %div3A_791, %sub3A_811 : i32
      %select_n3A_813 = arith.select %and3A_810, %sub3A_812, %div3A_791 : i32
      %mul3A_814 = arith.constant 2 : i32
      %mul3A_815 = arith.muli %select_n3A_813, %mul3A_814 : i32
      %mul3A_816 = arith.constant 128 : i32
      %mul3A_817 = arith.muli %mul3A_815, %mul3A_816 : i32
      %add3A_818 = arith.addi %mul3A_2, %mul3A_817 : i32
      %dma_start3A_819 = arith.constant 0 : i32
      %dma_start3A_820 = arith.constant 0 : i32
      %dma_start3A_821 = arith.constant 0 : i32
      %dma_start3A_822 = tpu.memref_slice %arg7[%dma_start3A_819, %dma_start3A_820, %dma_start3A_821] : memref<2x256x128xf32, #tpu.memory_space<vmem>> -> memref<1x256x128xf32, #tpu.memory_space<vmem>>
      %dma_start3A_823 = tpu.memref_squeeze %dma_start3A_822 : memref<1x256x128xf32, #tpu.memory_space<vmem>> -> memref<256x128xf32, #tpu.memory_space<vmem>>
      %dma_start3A_824 = arith.constant 0 : i32
      %dma_start3A_825 = tpu.memref_slice %arg4[%add3A_818, %dma_start3A_824] : memref<3276800x128xf32, #tpu.memory_space<hbm>> -> memref<256x128xf32, #tpu.memory_space<hbm>>
      %dma_start3A_826 = arith.constant 0 : i32
      %dma_start3A_827 = tpu.memref_slice %arg4[%add3A_818, %dma_start3A_826] : memref<3276800x128xf32, #tpu.memory_space<hbm>> -> memref<256x128xf32, #tpu.memory_space<hbm>>
      %dma_start3A_828 = arith.constant 0 : i32
      %dma_start3A_829 = arith.constant 0 : i32
      %dma_start3A_830 = tpu.memref_slice %arg7[%dma_start3A_819, %dma_start3A_828, %dma_start3A_829] : memref<2x256x128xf32, #tpu.memory_space<vmem>> -> memref<1x256x128xf32, #tpu.memory_space<vmem>>
      %dma_start3A_831 = tpu.memref_squeeze %dma_start3A_830 : memref<1x256x128xf32, #tpu.memory_space<vmem>> -> memref<256x128xf32, #tpu.memory_space<vmem>>
      tpu.enqueue_dma source(%dma_start3A_831 : memref<256x128xf32, #tpu.memory_space<vmem>>) target(%dma_start3A_827 : memref<256x128xf32, #tpu.memory_space<hbm>>) target_semaphore(%arg12 : memref<!tpu.dma_semaphore, #tpu.memory_space<semaphore_mem>>)
      %mul3A_832 = arith.constant 8 : i32
      %mul3A_833 = arith.muli %add3A_679, %mul3A_832 : i32
      %add3A_834 = arith.constant 2 : i32
      %add3A_835 = arith.addi %mul3A_833, %add3A_834 : i32
      %add3A_836 = arith.constant 1 : i32
      %add3A_837 = arith.addi %add3A_835, %add3A_836 : i32
      %dma_start3A_838 = arith.constant 1 : i32
      %dma_start3A_839 = arith.constant 3 : i32
      %dma_start3A_840 = arith.constant 1 : i32
      %dma_start3A_841 = arith.constant 128 : i32
      %dma_start3A_842 = arith.constant 0 : i32
      %dma_start3A_843 = tpu.memref_slice %arg7[%dma_start3A_840, %dma_start3A_841, %dma_start3A_842] : memref<2x256x128xf32, #tpu.memory_space<vmem>> -> memref<1x128x128xf32, #tpu.memory_space<vmem>>
      %dma_start3A_844 = tpu.memref_squeeze %dma_start3A_843 : memref<1x128x128xf32, #tpu.memory_space<vmem>> -> memref<128x128xf32, #tpu.memory_space<vmem>>
      %dma_start3A_845 = arith.constant 0 : i32
      %dma_start3A_846 = tpu.memref_slice %arg6[%dma_start3A_838, %dma_start3A_839, %dma_start3A_845] : memref<2x8x128xi32, #tpu.memory_space<vmem>> -> memref<1x1x128xi32, #tpu.memory_space<vmem>>
      %dma_start3A_847 = tpu.memref_squeeze %dma_start3A_846 : memref<1x1x128xi32, #tpu.memory_space<vmem>> -> memref<128xi32, #tpu.memory_space<vmem>>
      %dma_start3A_848 = arith.constant 0 : i32
      %dma_start3A_849 = arith.constant 0 : i32
      %dma_start3A_850 = tpu.memref_slice %arg5[%dma_start3A_848, %dma_start3A_849] : memref<17x128xf32, #tpu.memory_space<vmem_shared>> -> memref<17x128xf32, #tpu.memory_space<vmem_shared>>
      tpu.enqueue_indirect_dma source(%dma_start3A_850 : memref<17x128xf32, #tpu.memory_space<vmem_shared>>) target(%dma_start3A_844 : memref<128x128xf32, #tpu.memory_space<vmem>>) offsets(%dma_start3A_847 : memref<128xi32, #tpu.memory_space<vmem>>) semaphore(%arg11 : memref<!tpu.dma_semaphore, #tpu.memory_space<semaphore_mem>>)
      %dma_wait3A_851 = arith.constant 1 : i32
      %dma_wait3A_852 = arith.constant 2 : i32
      %dma_wait3A_853 = arith.constant 1 : i32
      %dma_wait3A_854 = arith.constant 0 : i32
      %dma_wait3A_855 = arith.constant 0 : i32
      %dma_wait3A_856 = tpu.memref_slice %arg7[%dma_wait3A_853, %dma_wait3A_854, %dma_wait3A_855] : memref<2x256x128xf32, #tpu.memory_space<vmem>> -> memref<1x128x128xf32, #tpu.memory_space<vmem>>
      %dma_wait3A_857 = tpu.memref_squeeze %dma_wait3A_856 : memref<1x128x128xf32, #tpu.memory_space<vmem>> -> memref<128x128xf32, #tpu.memory_space<vmem>>
      %dma_wait3A_858 = arith.constant 0 : i32
      %dma_wait3A_859 = tpu.memref_slice %arg6[%dma_wait3A_851, %dma_wait3A_852, %dma_wait3A_858] : memref<2x8x128xi32, #tpu.memory_space<vmem>> -> memref<1x1x128xi32, #tpu.memory_space<vmem>>
      %dma_wait3A_860 = tpu.memref_squeeze %dma_wait3A_859 : memref<1x1x128xi32, #tpu.memory_space<vmem>> -> memref<128xi32, #tpu.memory_space<vmem>>
      %dma_wait3A_861 = arith.constant 0 : i32
      %dma_wait3A_862 = arith.constant 0 : i32
      %dma_wait3A_863 = tpu.memref_slice %arg5[%dma_wait3A_861, %dma_wait3A_862] : memref<17x128xf32, #tpu.memory_space<vmem_shared>> -> memref<17x128xf32, #tpu.memory_space<vmem_shared>>
      tpu.wait_indirect_dma semaphore(%arg10 : memref<!tpu.dma_semaphore, #tpu.memory_space<semaphore_mem>>) src(%dma_wait3A_863 : memref<17x128xf32, #tpu.memory_space<vmem_shared>>) dst(%dma_wait3A_857 : memref<128x128xf32, #tpu.memory_space<vmem>>)
      %mul3A_864 = arith.constant 8 : i32
      %mul3A_865 = arith.muli %add3A_679, %mul3A_864 : i32
      %add3A_866 = arith.constant 3 : i32
      %add3A_867 = arith.addi %mul3A_865, %add3A_866 : i32
      %add3A_868 = arith.constant 1 : i32
      %add3A_869 = arith.addi %add3A_867, %add3A_868 : i32
      %jit3A_870 = arith.constant 2 : i32
      %div3A_871 = arith.divsi %add3A_869, %jit3A_870 : i32
      %sign3A_872 = arith.constant 0 : i32
      %sign3A_873 = arith.cmpi sgt, %add3A_869, %sign3A_872 : i32
      %sign3A_874 = arith.extui %sign3A_873 : i1 to i32
      %sign3A_875 = arith.constant 0 : i32
      %sign3A_876 = arith.cmpi slt, %add3A_869, %sign3A_875 : i32
      %sign3A_877 = arith.extui %sign3A_876 : i1 to i32
      %sign3A_878 = arith.subi %sign3A_874, %sign3A_877 : i32
      %sign3A_879 = arith.constant 0 : i32
      %sign3A_880 = arith.cmpi sgt, %jit3A_870, %sign3A_879 : i32
      %sign3A_881 = arith.extui %sign3A_880 : i1 to i32
      %sign3A_882 = arith.constant 0 : i32
      %sign3A_883 = arith.cmpi slt, %jit3A_870, %sign3A_882 : i32
      %sign3A_884 = arith.extui %sign3A_883 : i1 to i32
      %sign3A_885 = arith.subi %sign3A_881, %sign3A_884 : i32
      %ne3A_886 = arith.cmpi ne, %sign3A_878, %sign3A_885 : i32
      %rem3A_887 = arith.remsi %add3A_869, %jit3A_870 : i32
      %ne3A_888 = arith.constant 0 : i32
      %ne3A_889 = arith.cmpi ne, %rem3A_887, %ne3A_888 : i32
      %and3A_890 = arith.andi %ne3A_886, %ne3A_889 : i1
      %sub3A_891 = arith.constant 1 : i32
      %sub3A_892 = arith.subi %div3A_871, %sub3A_891 : i32
      %select_n3A_893 = arith.select %and3A_890, %sub3A_892, %div3A_871 : i32
      %sub3A_894 = arith.constant 2 : i32
      %sub3A_895 = arith.subi %select_n3A_893, %sub3A_894 : i32
      %mul3A_896 = arith.constant 2 : i32
      %mul3A_897 = arith.muli %sub3A_895, %mul3A_896 : i32
      %mul3A_898 = arith.constant 128 : i32
      %mul3A_899 = arith.muli %mul3A_897, %mul3A_898 : i32
      %add3A_900 = arith.addi %mul3A_2, %mul3A_899 : i32
      %dma_wait3A_901 = arith.constant 0 : i32
      %dma_wait3A_902 = arith.constant 0 : i32
      %dma_wait3A_903 = arith.constant 0 : i32
      %dma_wait3A_904 = tpu.memref_slice %arg7[%dma_wait3A_901, %dma_wait3A_902, %dma_wait3A_903] : memref<2x256x128xf32, #tpu.memory_space<vmem>> -> memref<1x256x128xf32, #tpu.memory_space<vmem>>
      %dma_wait3A_905 = tpu.memref_squeeze %dma_wait3A_904 : memref<1x256x128xf32, #tpu.memory_space<vmem>> -> memref<256x128xf32, #tpu.memory_space<vmem>>
      %dma_wait3A_906 = arith.constant 0 : i32
      %dma_wait3A_907 = tpu.memref_slice %arg4[%add3A_900, %dma_wait3A_906] : memref<3276800x128xf32, #tpu.memory_space<hbm>> -> memref<256x128xf32, #tpu.memory_space<hbm>>
      %dma_wait3A_908 = arith.constant 0 : i32
      %dma_wait3A_909 = tpu.memref_slice %arg4[%add3A_900, %dma_wait3A_908] : memref<3276800x128xf32, #tpu.memory_space<hbm>> -> memref<256x128xf32, #tpu.memory_space<hbm>>
      %dma_wait3A_910 = arith.constant 0 : i32
      %dma_wait3A_911 = arith.constant 0 : i32
      %dma_wait3A_912 = tpu.memref_slice %arg7[%dma_wait3A_901, %dma_wait3A_910, %dma_wait3A_911] : memref<2x256x128xf32, #tpu.memory_space<vmem>> -> memref<1x256x128xf32, #tpu.memory_space<vmem>>
      %dma_wait3A_913 = tpu.memref_squeeze %dma_wait3A_912 : memref<1x256x128xf32, #tpu.memory_space<vmem>> -> memref<256x128xf32, #tpu.memory_space<vmem>>
      tpu.wait_dma2 semaphore(%arg12 : memref<!tpu.dma_semaphore, #tpu.memory_space<semaphore_mem>>) src(%dma_wait3A_913 : memref<256x128xf32, #tpu.memory_space<vmem>>) dst(%dma_wait3A_909 : memref<256x128xf32, #tpu.memory_space<hbm>>)
      %add3A_914 = arith.constant 1 : i32
      %add3A_915 = arith.addi %add3A_867, %add3A_914 : i32
      %dma_start3A_916 = arith.constant 1 : i32
      %dma_start3A_917 = arith.constant 4 : i32
      %dma_start3A_918 = arith.constant 0 : i32
      %dma_start3A_919 = arith.constant 0 : i32
      %dma_start3A_920 = arith.constant 0 : i32
      %dma_start3A_921 = tpu.memref_slice %arg7[%dma_start3A_918, %dma_start3A_919, %dma_start3A_920] : memref<2x256x128xf32, #tpu.memory_space<vmem>> -> memref<1x128x128xf32, #tpu.memory_space<vmem>>
      %dma_start3A_922 = tpu.memref_squeeze %dma_start3A_921 : memref<1x128x128xf32, #tpu.memory_space<vmem>> -> memref<128x128xf32, #tpu.memory_space<vmem>>
      %dma_start3A_923 = arith.constant 0 : i32
      %dma_start3A_924 = tpu.memref_slice %arg6[%dma_start3A_916, %dma_start3A_917, %dma_start3A_923] : memref<2x8x128xi32, #tpu.memory_space<vmem>> -> memref<1x1x128xi32, #tpu.memory_space<vmem>>
      %dma_start3A_925 = tpu.memref_squeeze %dma_start3A_924 : memref<1x1x128xi32, #tpu.memory_space<vmem>> -> memref<128xi32, #tpu.memory_space<vmem>>
      %dma_start3A_926 = arith.constant 0 : i32
      %dma_start3A_927 = arith.constant 0 : i32
      %dma_start3A_928 = tpu.memref_slice %arg5[%dma_start3A_926, %dma_start3A_927] : memref<17x128xf32, #tpu.memory_space<vmem_shared>> -> memref<17x128xf32, #tpu.memory_space<vmem_shared>>
      tpu.enqueue_indirect_dma source(%dma_start3A_928 : memref<17x128xf32, #tpu.memory_space<vmem_shared>>) target(%dma_start3A_922 : memref<128x128xf32, #tpu.memory_space<vmem>>) offsets(%dma_start3A_925 : memref<128xi32, #tpu.memory_space<vmem>>) semaphore(%arg10 : memref<!tpu.dma_semaphore, #tpu.memory_space<semaphore_mem>>)
      %dma_wait3A_929 = arith.constant 1 : i32
      %dma_wait3A_930 = arith.constant 3 : i32
      %dma_wait3A_931 = arith.constant 1 : i32
      %dma_wait3A_932 = arith.constant 128 : i32
      %dma_wait3A_933 = arith.constant 0 : i32
      %dma_wait3A_934 = tpu.memref_slice %arg7[%dma_wait3A_931, %dma_wait3A_932, %dma_wait3A_933] : memref<2x256x128xf32, #tpu.memory_space<vmem>> -> memref<1x128x128xf32, #tpu.memory_space<vmem>>
      %dma_wait3A_935 = tpu.memref_squeeze %dma_wait3A_934 : memref<1x128x128xf32, #tpu.memory_space<vmem>> -> memref<128x128xf32, #tpu.memory_space<vmem>>
      %dma_wait3A_936 = arith.constant 0 : i32
      %dma_wait3A_937 = tpu.memref_slice %arg6[%dma_wait3A_929, %dma_wait3A_930, %dma_wait3A_936] : memref<2x8x128xi32, #tpu.memory_space<vmem>> -> memref<1x1x128xi32, #tpu.memory_space<vmem>>
      %dma_wait3A_938 = tpu.memref_squeeze %dma_wait3A_937 : memref<1x1x128xi32, #tpu.memory_space<vmem>> -> memref<128xi32, #tpu.memory_space<vmem>>
      %dma_wait3A_939 = arith.constant 0 : i32
      %dma_wait3A_940 = arith.constant 0 : i32
      %dma_wait3A_941 = tpu.memref_slice %arg5[%dma_wait3A_939, %dma_wait3A_940] : memref<17x128xf32, #tpu.memory_space<vmem_shared>> -> memref<17x128xf32, #tpu.memory_space<vmem_shared>>
      tpu.wait_indirect_dma semaphore(%arg11 : memref<!tpu.dma_semaphore, #tpu.memory_space<semaphore_mem>>) src(%dma_wait3A_941 : memref<17x128xf32, #tpu.memory_space<vmem_shared>>) dst(%dma_wait3A_935 : memref<128x128xf32, #tpu.memory_space<vmem>>)
      %jit3A_942 = arith.constant 2 : i32
      %div3A_943 = arith.divsi %add3A_867, %jit3A_942 : i32
      %sign3A_944 = arith.constant 0 : i32
      %sign3A_945 = arith.cmpi sgt, %add3A_867, %sign3A_944 : i32
      %sign3A_946 = arith.extui %sign3A_945 : i1 to i32
      %sign3A_947 = arith.constant 0 : i32
      %sign3A_948 = arith.cmpi slt, %add3A_867, %sign3A_947 : i32
      %sign3A_949 = arith.extui %sign3A_948 : i1 to i32
      %sign3A_950 = arith.subi %sign3A_946, %sign3A_949 : i32
      %sign3A_951 = arith.constant 0 : i32
      %sign3A_952 = arith.cmpi sgt, %jit3A_942, %sign3A_951 : i32
      %sign3A_953 = arith.extui %sign3A_952 : i1 to i32
      %sign3A_954 = arith.constant 0 : i32
      %sign3A_955 = arith.cmpi slt, %jit3A_942, %sign3A_954 : i32
      %sign3A_956 = arith.extui %sign3A_955 : i1 to i32
      %sign3A_957 = arith.subi %sign3A_953, %sign3A_956 : i32
      %ne3A_958 = arith.cmpi ne, %sign3A_950, %sign3A_957 : i32
      %rem3A_959 = arith.remsi %add3A_867, %jit3A_942 : i32
      %ne3A_960 = arith.constant 0 : i32
      %ne3A_961 = arith.cmpi ne, %rem3A_959, %ne3A_960 : i32
      %and3A_962 = arith.andi %ne3A_958, %ne3A_961 : i1
      %sub3A_963 = arith.constant 1 : i32
      %sub3A_964 = arith.subi %div3A_943, %sub3A_963 : i32
      %select_n3A_965 = arith.select %and3A_962, %sub3A_964, %div3A_943 : i32
      %mul3A_966 = arith.constant 2 : i32
      %mul3A_967 = arith.muli %select_n3A_965, %mul3A_966 : i32
      %mul3A_968 = arith.constant 128 : i32
      %mul3A_969 = arith.muli %mul3A_967, %mul3A_968 : i32
      %add3A_970 = arith.addi %mul3A_2, %mul3A_969 : i32
      %dma_start3A_971 = arith.constant 1 : i32
      %dma_start3A_972 = arith.constant 0 : i32
      %dma_start3A_973 = arith.constant 0 : i32
      %dma_start3A_974 = tpu.memref_slice %arg7[%dma_start3A_971, %dma_start3A_972, %dma_start3A_973] : memref<2x256x128xf32, #tpu.memory_space<vmem>> -> memref<1x256x128xf32, #tpu.memory_space<vmem>>
      %dma_start3A_975 = tpu.memref_squeeze %dma_start3A_974 : memref<1x256x128xf32, #tpu.memory_space<vmem>> -> memref<256x128xf32, #tpu.memory_space<vmem>>
      %dma_start3A_976 = arith.constant 0 : i32
      %dma_start3A_977 = tpu.memref_slice %arg4[%add3A_970, %dma_start3A_976] : memref<3276800x128xf32, #tpu.memory_space<hbm>> -> memref<256x128xf32, #tpu.memory_space<hbm>>
      %dma_start3A_978 = arith.constant 0 : i32
      %dma_start3A_979 = tpu.memref_slice %arg4[%add3A_970, %dma_start3A_978] : memref<3276800x128xf32, #tpu.memory_space<hbm>> -> memref<256x128xf32, #tpu.memory_space<hbm>>
      %dma_start3A_980 = arith.constant 0 : i32
      %dma_start3A_981 = arith.constant 0 : i32
      %dma_start3A_982 = tpu.memref_slice %arg7[%dma_start3A_971, %dma_start3A_980, %dma_start3A_981] : memref<2x256x128xf32, #tpu.memory_space<vmem>> -> memref<1x256x128xf32, #tpu.memory_space<vmem>>
      %dma_start3A_983 = tpu.memref_squeeze %dma_start3A_982 : memref<1x256x128xf32, #tpu.memory_space<vmem>> -> memref<256x128xf32, #tpu.memory_space<vmem>>
      tpu.enqueue_dma source(%dma_start3A_983 : memref<256x128xf32, #tpu.memory_space<vmem>>) target(%dma_start3A_979 : memref<256x128xf32, #tpu.memory_space<hbm>>) target_semaphore(%arg13 : memref<!tpu.dma_semaphore, #tpu.memory_space<semaphore_mem>>)
      %mul3A_984 = arith.constant 8 : i32
      %mul3A_985 = arith.muli %add3A_679, %mul3A_984 : i32
      %add3A_986 = arith.constant 4 : i32
      %add3A_987 = arith.addi %mul3A_985, %add3A_986 : i32
      %add3A_988 = arith.constant 1 : i32
      %add3A_989 = arith.addi %add3A_987, %add3A_988 : i32
      %dma_start3A_990 = arith.constant 1 : i32
      %dma_start3A_991 = arith.constant 5 : i32
      %dma_start3A_992 = arith.constant 0 : i32
      %dma_start3A_993 = arith.constant 128 : i32
      %dma_start3A_994 = arith.constant 0 : i32
      %dma_start3A_995 = tpu.memref_slice %arg7[%dma_start3A_992, %dma_start3A_993, %dma_start3A_994] : memref<2x256x128xf32, #tpu.memory_space<vmem>> -> memref<1x128x128xf32, #tpu.memory_space<vmem>>
      %dma_start3A_996 = tpu.memref_squeeze %dma_start3A_995 : memref<1x128x128xf32, #tpu.memory_space<vmem>> -> memref<128x128xf32, #tpu.memory_space<vmem>>
      %dma_start3A_997 = arith.constant 0 : i32
      %dma_start3A_998 = tpu.memref_slice %arg6[%dma_start3A_990, %dma_start3A_991, %dma_start3A_997] : memref<2x8x128xi32, #tpu.memory_space<vmem>> -> memref<1x1x128xi32, #tpu.memory_space<vmem>>
      %dma_start3A_999 = tpu.memref_squeeze %dma_start3A_998 : memref<1x1x128xi32, #tpu.memory_space<vmem>> -> memref<128xi32, #tpu.memory_space<vmem>>
      %dma_start3A_1000 = arith.constant 0 : i32
      %dma_start3A_1001 = arith.constant 0 : i32
      %dma_start3A_1002 = tpu.memref_slice %arg5[%dma_start3A_1000, %dma_start3A_1001] : memref<17x128xf32, #tpu.memory_space<vmem_shared>> -> memref<17x128xf32, #tpu.memory_space<vmem_shared>>
      tpu.enqueue_indirect_dma source(%dma_start3A_1002 : memref<17x128xf32, #tpu.memory_space<vmem_shared>>) target(%dma_start3A_996 : memref<128x128xf32, #tpu.memory_space<vmem>>) offsets(%dma_start3A_999 : memref<128xi32, #tpu.memory_space<vmem>>) semaphore(%arg11 : memref<!tpu.dma_semaphore, #tpu.memory_space<semaphore_mem>>)
      %dma_wait3A_1003 = arith.constant 1 : i32
      %dma_wait3A_1004 = arith.constant 4 : i32
      %dma_wait3A_1005 = arith.constant 0 : i32
      %dma_wait3A_1006 = arith.constant 0 : i32
      %dma_wait3A_1007 = arith.constant 0 : i32
      %dma_wait3A_1008 = tpu.memref_slice %arg7[%dma_wait3A_1005, %dma_wait3A_1006, %dma_wait3A_1007] : memref<2x256x128xf32, #tpu.memory_space<vmem>> -> memref<1x128x128xf32, #tpu.memory_space<vmem>>
      %dma_wait3A_1009 = tpu.memref_squeeze %dma_wait3A_1008 : memref<1x128x128xf32, #tpu.memory_space<vmem>> -> memref<128x128xf32, #tpu.memory_space<vmem>>
      %dma_wait3A_1010 = arith.constant 0 : i32
      %dma_wait3A_1011 = tpu.memref_slice %arg6[%dma_wait3A_1003, %dma_wait3A_1004, %dma_wait3A_1010] : memref<2x8x128xi32, #tpu.memory_space<vmem>> -> memref<1x1x128xi32, #tpu.memory_space<vmem>>
      %dma_wait3A_1012 = tpu.memref_squeeze %dma_wait3A_1011 : memref<1x1x128xi32, #tpu.memory_space<vmem>> -> memref<128xi32, #tpu.memory_space<vmem>>
      %dma_wait3A_1013 = arith.constant 0 : i32
      %dma_wait3A_1014 = arith.constant 0 : i32
      %dma_wait3A_1015 = tpu.memref_slice %arg5[%dma_wait3A_1013, %dma_wait3A_1014] : memref<17x128xf32, #tpu.memory_space<vmem_shared>> -> memref<17x128xf32, #tpu.memory_space<vmem_shared>>
      tpu.wait_indirect_dma semaphore(%arg10 : memref<!tpu.dma_semaphore, #tpu.memory_space<semaphore_mem>>) src(%dma_wait3A_1015 : memref<17x128xf32, #tpu.memory_space<vmem_shared>>) dst(%dma_wait3A_1009 : memref<128x128xf32, #tpu.memory_space<vmem>>)
      %mul3A_1016 = arith.constant 8 : i32
      %mul3A_1017 = arith.muli %add3A_679, %mul3A_1016 : i32
      %add3A_1018 = arith.constant 5 : i32
      %add3A_1019 = arith.addi %mul3A_1017, %add3A_1018 : i32
      %add3A_1020 = arith.constant 1 : i32
      %add3A_1021 = arith.addi %add3A_1019, %add3A_1020 : i32
      %jit3A_1022 = arith.constant 2 : i32
      %div3A_1023 = arith.divsi %add3A_1021, %jit3A_1022 : i32
      %sign3A_1024 = arith.constant 0 : i32
      %sign3A_1025 = arith.cmpi sgt, %add3A_1021, %sign3A_1024 : i32
      %sign3A_1026 = arith.extui %sign3A_1025 : i1 to i32
      %sign3A_1027 = arith.constant 0 : i32
      %sign3A_1028 = arith.cmpi slt, %add3A_1021, %sign3A_1027 : i32
      %sign3A_1029 = arith.extui %sign3A_1028 : i1 to i32
      %sign3A_1030 = arith.subi %sign3A_1026, %sign3A_1029 : i32
      %sign3A_1031 = arith.constant 0 : i32
      %sign3A_1032 = arith.cmpi sgt, %jit3A_1022, %sign3A_1031 : i32
      %sign3A_1033 = arith.extui %sign3A_1032 : i1 to i32
      %sign3A_1034 = arith.constant 0 : i32
      %sign3A_1035 = arith.cmpi slt, %jit3A_1022, %sign3A_1034 : i32
      %sign3A_1036 = arith.extui %sign3A_1035 : i1 to i32
      %sign3A_1037 = arith.subi %sign3A_1033, %sign3A_1036 : i32
      %ne3A_1038 = arith.cmpi ne, %sign3A_1030, %sign3A_1037 : i32
      %rem3A_1039 = arith.remsi %add3A_1021, %jit3A_1022 : i32
      %ne3A_1040 = arith.constant 0 : i32
      %ne3A_1041 = arith.cmpi ne, %rem3A_1039, %ne3A_1040 : i32
      %and3A_1042 = arith.andi %ne3A_1038, %ne3A_1041 : i1
      %sub3A_1043 = arith.constant 1 : i32
      %sub3A_1044 = arith.subi %div3A_1023, %sub3A_1043 : i32
      %select_n3A_1045 = arith.select %and3A_1042, %sub3A_1044, %div3A_1023 : i32
      %sub3A_1046 = arith.constant 2 : i32
      %sub3A_1047 = arith.subi %select_n3A_1045, %sub3A_1046 : i32
      %mul3A_1048 = arith.constant 2 : i32
      %mul3A_1049 = arith.muli %sub3A_1047, %mul3A_1048 : i32
      %mul3A_1050 = arith.constant 128 : i32
      %mul3A_1051 = arith.muli %mul3A_1049, %mul3A_1050 : i32
      %add3A_1052 = arith.addi %mul3A_2, %mul3A_1051 : i32
      %dma_wait3A_1053 = arith.constant 1 : i32
      %dma_wait3A_1054 = arith.constant 0 : i32
      %dma_wait3A_1055 = arith.constant 0 : i32
      %dma_wait3A_1056 = tpu.memref_slice %arg7[%dma_wait3A_1053, %dma_wait3A_1054, %dma_wait3A_1055] : memref<2x256x128xf32, #tpu.memory_space<vmem>> -> memref<1x256x128xf32, #tpu.memory_space<vmem>>
      %dma_wait3A_1057 = tpu.memref_squeeze %dma_wait3A_1056 : memref<1x256x128xf32, #tpu.memory_space<vmem>> -> memref<256x128xf32, #tpu.memory_space<vmem>>
      %dma_wait3A_1058 = arith.constant 0 : i32
      %dma_wait3A_1059 = tpu.memref_slice %arg4[%add3A_1052, %dma_wait3A_1058] : memref<3276800x128xf32, #tpu.memory_space<hbm>> -> memref<256x128xf32, #tpu.memory_space<hbm>>
      %dma_wait3A_1060 = arith.constant 0 : i32
      %dma_wait3A_1061 = tpu.memref_slice %arg4[%add3A_1052, %dma_wait3A_1060] : memref<3276800x128xf32, #tpu.memory_space<hbm>> -> memref<256x128xf32, #tpu.memory_space<hbm>>
      %dma_wait3A_1062 = arith.constant 0 : i32
      %dma_wait3A_1063 = arith.constant 0 : i32
      %dma_wait3A_1064 = tpu.memref_slice %arg7[%dma_wait3A_1053, %dma_wait3A_1062, %dma_wait3A_1063] : memref<2x256x128xf32, #tpu.memory_space<vmem>> -> memref<1x256x128xf32, #tpu.memory_space<vmem>>
      %dma_wait3A_1065 = tpu.memref_squeeze %dma_wait3A_1064 : memref<1x256x128xf32, #tpu.memory_space<vmem>> -> memref<256x128xf32, #tpu.memory_space<vmem>>
      tpu.wait_dma2 semaphore(%arg13 : memref<!tpu.dma_semaphore, #tpu.memory_space<semaphore_mem>>) src(%dma_wait3A_1065 : memref<256x128xf32, #tpu.memory_space<vmem>>) dst(%dma_wait3A_1061 : memref<256x128xf32, #tpu.memory_space<hbm>>)
      %add3A_1066 = arith.constant 1 : i32
      %add3A_1067 = arith.addi %add3A_1019, %add3A_1066 : i32
      %dma_start3A_1068 = arith.constant 1 : i32
      %dma_start3A_1069 = arith.constant 6 : i32
      %dma_start3A_1070 = arith.constant 1 : i32
      %dma_start3A_1071 = arith.constant 0 : i32
      %dma_start3A_1072 = arith.constant 0 : i32
      %dma_start3A_1073 = tpu.memref_slice %arg7[%dma_start3A_1070, %dma_start3A_1071, %dma_start3A_1072] : memref<2x256x128xf32, #tpu.memory_space<vmem>> -> memref<1x128x128xf32, #tpu.memory_space<vmem>>
      %dma_start3A_1074 = tpu.memref_squeeze %dma_start3A_1073 : memref<1x128x128xf32, #tpu.memory_space<vmem>> -> memref<128x128xf32, #tpu.memory_space<vmem>>
      %dma_start3A_1075 = arith.constant 0 : i32
      %dma_start3A_1076 = tpu.memref_slice %arg6[%dma_start3A_1068, %dma_start3A_1069, %dma_start3A_1075] : memref<2x8x128xi32, #tpu.memory_space<vmem>> -> memref<1x1x128xi32, #tpu.memory_space<vmem>>
      %dma_start3A_1077 = tpu.memref_squeeze %dma_start3A_1076 : memref<1x1x128xi32, #tpu.memory_space<vmem>> -> memref<128xi32, #tpu.memory_space<vmem>>
      %dma_start3A_1078 = arith.constant 0 : i32
      %dma_start3A_1079 = arith.constant 0 : i32
      %dma_start3A_1080 = tpu.memref_slice %arg5[%dma_start3A_1078, %dma_start3A_1079] : memref<17x128xf32, #tpu.memory_space<vmem_shared>> -> memref<17x128xf32, #tpu.memory_space<vmem_shared>>
      tpu.enqueue_indirect_dma source(%dma_start3A_1080 : memref<17x128xf32, #tpu.memory_space<vmem_shared>>) target(%dma_start3A_1074 : memref<128x128xf32, #tpu.memory_space<vmem>>) offsets(%dma_start3A_1077 : memref<128xi32, #tpu.memory_space<vmem>>) semaphore(%arg10 : memref<!tpu.dma_semaphore, #tpu.memory_space<semaphore_mem>>)
      %dma_wait3A_1081 = arith.constant 1 : i32
      %dma_wait3A_1082 = arith.constant 5 : i32
      %dma_wait3A_1083 = arith.constant 0 : i32
      %dma_wait3A_1084 = arith.constant 128 : i32
      %dma_wait3A_1085 = arith.constant 0 : i32
      %dma_wait3A_1086 = tpu.memref_slice %arg7[%dma_wait3A_1083, %dma_wait3A_1084, %dma_wait3A_1085] : memref<2x256x128xf32, #tpu.memory_space<vmem>> -> memref<1x128x128xf32, #tpu.memory_space<vmem>>
      %dma_wait3A_1087 = tpu.memref_squeeze %dma_wait3A_1086 : memref<1x128x128xf32, #tpu.memory_space<vmem>> -> memref<128x128xf32, #tpu.memory_space<vmem>>
      %dma_wait3A_1088 = arith.constant 0 : i32
      %dma_wait3A_1089 = tpu.memref_slice %arg6[%dma_wait3A_1081, %dma_wait3A_1082, %dma_wait3A_1088] : memref<2x8x128xi32, #tpu.memory_space<vmem>> -> memref<1x1x128xi32, #tpu.memory_space<vmem>>
      %dma_wait3A_1090 = tpu.memref_squeeze %dma_wait3A_1089 : memref<1x1x128xi32, #tpu.memory_space<vmem>> -> memref<128xi32, #tpu.memory_space<vmem>>
      %dma_wait3A_1091 = arith.constant 0 : i32
      %dma_wait3A_1092 = arith.constant 0 : i32
      %dma_wait3A_1093 = tpu.memref_slice %arg5[%dma_wait3A_1091, %dma_wait3A_1092] : memref<17x128xf32, #tpu.memory_space<vmem_shared>> -> memref<17x128xf32, #tpu.memory_space<vmem_shared>>
      tpu.wait_indirect_dma semaphore(%arg11 : memref<!tpu.dma_semaphore, #tpu.memory_space<semaphore_mem>>) src(%dma_wait3A_1093 : memref<17x128xf32, #tpu.memory_space<vmem_shared>>) dst(%dma_wait3A_1087 : memref<128x128xf32, #tpu.memory_space<vmem>>)
      %jit3A_1094 = arith.constant 2 : i32
      %div3A_1095 = arith.divsi %add3A_1019, %jit3A_1094 : i32
      %sign3A_1096 = arith.constant 0 : i32
      %sign3A_1097 = arith.cmpi sgt, %add3A_1019, %sign3A_1096 : i32
      %sign3A_1098 = arith.extui %sign3A_1097 : i1 to i32
      %sign3A_1099 = arith.constant 0 : i32
      %sign3A_1100 = arith.cmpi slt, %add3A_1019, %sign3A_1099 : i32
      %sign3A_1101 = arith.extui %sign3A_1100 : i1 to i32
      %sign3A_1102 = arith.subi %sign3A_1098, %sign3A_1101 : i32
      %sign3A_1103 = arith.constant 0 : i32
      %sign3A_1104 = arith.cmpi sgt, %jit3A_1094, %sign3A_1103 : i32
      %sign3A_1105 = arith.extui %sign3A_1104 : i1 to i32
      %sign3A_1106 = arith.constant 0 : i32
      %sign3A_1107 = arith.cmpi slt, %jit3A_1094, %sign3A_1106 : i32
      %sign3A_1108 = arith.extui %sign3A_1107 : i1 to i32
      %sign3A_1109 = arith.subi %sign3A_1105, %sign3A_1108 : i32
      %ne3A_1110 = arith.cmpi ne, %sign3A_1102, %sign3A_1109 : i32
      %rem3A_1111 = arith.remsi %add3A_1019, %jit3A_1094 : i32
      %ne3A_1112 = arith.constant 0 : i32
      %ne3A_1113 = arith.cmpi ne, %rem3A_1111, %ne3A_1112 : i32
      %and3A_1114 = arith.andi %ne3A_1110, %ne3A_1113 : i1
      %sub3A_1115 = arith.constant 1 : i32
      %sub3A_1116 = arith.subi %div3A_1095, %sub3A_1115 : i32
      %select_n3A_1117 = arith.select %and3A_1114, %sub3A_1116, %div3A_1095 : i32
      %mul3A_1118 = arith.constant 2 : i32
      %mul3A_1119 = arith.muli %select_n3A_1117, %mul3A_1118 : i32
      %mul3A_1120 = arith.constant 128 : i32
      %mul3A_1121 = arith.muli %mul3A_1119, %mul3A_1120 : i32
      %add3A_1122 = arith.addi %mul3A_2, %mul3A_1121 : i32
      %dma_start3A_1123 = arith.constant 0 : i32
      %dma_start3A_1124 = arith.constant 0 : i32
      %dma_start3A_1125 = arith.constant 0 : i32
      %dma_start3A_1126 = tpu.memref_slice %arg7[%dma_start3A_1123, %dma_start3A_1124, %dma_start3A_1125] : memref<2x256x128xf32, #tpu.memory_space<vmem>> -> memref<1x256x128xf32, #tpu.memory_space<vmem>>
      %dma_start3A_1127 = tpu.memref_squeeze %dma_start3A_1126 : memref<1x256x128xf32, #tpu.memory_space<vmem>> -> memref<256x128xf32, #tpu.memory_space<vmem>>
      %dma_start3A_1128 = arith.constant 0 : i32
      %dma_start3A_1129 = tpu.memref_slice %arg4[%add3A_1122, %dma_start3A_1128] : memref<3276800x128xf32, #tpu.memory_space<hbm>> -> memref<256x128xf32, #tpu.memory_space<hbm>>
      %dma_start3A_1130 = arith.constant 0 : i32
      %dma_start3A_1131 = tpu.memref_slice %arg4[%add3A_1122, %dma_start3A_1130] : memref<3276800x128xf32, #tpu.memory_space<hbm>> -> memref<256x128xf32, #tpu.memory_space<hbm>>
      %dma_start3A_1132 = arith.constant 0 : i32
      %dma_start3A_1133 = arith.constant 0 : i32
      %dma_start3A_1134 = tpu.memref_slice %arg7[%dma_start3A_1123, %dma_start3A_1132, %dma_start3A_1133] : memref<2x256x128xf32, #tpu.memory_space<vmem>> -> memref<1x256x128xf32, #tpu.memory_space<vmem>>
      %dma_start3A_1135 = tpu.memref_squeeze %dma_start3A_1134 : memref<1x256x128xf32, #tpu.memory_space<vmem>> -> memref<256x128xf32, #tpu.memory_space<vmem>>
      tpu.enqueue_dma source(%dma_start3A_1135 : memref<256x128xf32, #tpu.memory_space<vmem>>) target(%dma_start3A_1131 : memref<256x128xf32, #tpu.memory_space<hbm>>) target_semaphore(%arg12 : memref<!tpu.dma_semaphore, #tpu.memory_space<semaphore_mem>>)
      %mul3A_1136 = arith.constant 8 : i32
      %mul3A_1137 = arith.muli %add3A_679, %mul3A_1136 : i32
      %add3A_1138 = arith.constant 6 : i32
      %add3A_1139 = arith.addi %mul3A_1137, %add3A_1138 : i32
      %add3A_1140 = arith.constant 1 : i32
      %add3A_1141 = arith.addi %add3A_1139, %add3A_1140 : i32
      %dma_start3A_1142 = arith.constant 1 : i32
      %dma_start3A_1143 = arith.constant 7 : i32
      %dma_start3A_1144 = arith.constant 1 : i32
      %dma_start3A_1145 = arith.constant 128 : i32
      %dma_start3A_1146 = arith.constant 0 : i32
      %dma_start3A_1147 = tpu.memref_slice %arg7[%dma_start3A_1144, %dma_start3A_1145, %dma_start3A_1146] : memref<2x256x128xf32, #tpu.memory_space<vmem>> -> memref<1x128x128xf32, #tpu.memory_space<vmem>>
      %dma_start3A_1148 = tpu.memref_squeeze %dma_start3A_1147 : memref<1x128x128xf32, #tpu.memory_space<vmem>> -> memref<128x128xf32, #tpu.memory_space<vmem>>
      %dma_start3A_1149 = arith.constant 0 : i32
      %dma_start3A_1150 = tpu.memref_slice %arg6[%dma_start3A_1142, %dma_start3A_1143, %dma_start3A_1149] : memref<2x8x128xi32, #tpu.memory_space<vmem>> -> memref<1x1x128xi32, #tpu.memory_space<vmem>>
      %dma_start3A_1151 = tpu.memref_squeeze %dma_start3A_1150 : memref<1x1x128xi32, #tpu.memory_space<vmem>> -> memref<128xi32, #tpu.memory_space<vmem>>
      %dma_start3A_1152 = arith.constant 0 : i32
      %dma_start3A_1153 = arith.constant 0 : i32
      %dma_start3A_1154 = tpu.memref_slice %arg5[%dma_start3A_1152, %dma_start3A_1153] : memref<17x128xf32, #tpu.memory_space<vmem_shared>> -> memref<17x128xf32, #tpu.memory_space<vmem_shared>>
      tpu.enqueue_indirect_dma source(%dma_start3A_1154 : memref<17x128xf32, #tpu.memory_space<vmem_shared>>) target(%dma_start3A_1148 : memref<128x128xf32, #tpu.memory_space<vmem>>) offsets(%dma_start3A_1151 : memref<128xi32, #tpu.memory_space<vmem>>) semaphore(%arg11 : memref<!tpu.dma_semaphore, #tpu.memory_space<semaphore_mem>>)
      %dma_wait3A_1155 = arith.constant 1 : i32
      %dma_wait3A_1156 = arith.constant 6 : i32
      %dma_wait3A_1157 = arith.constant 1 : i32
      %dma_wait3A_1158 = arith.constant 0 : i32
      %dma_wait3A_1159 = arith.constant 0 : i32
      %dma_wait3A_1160 = tpu.memref_slice %arg7[%dma_wait3A_1157, %dma_wait3A_1158, %dma_wait3A_1159] : memref<2x256x128xf32, #tpu.memory_space<vmem>> -> memref<1x128x128xf32, #tpu.memory_space<vmem>>
      %dma_wait3A_1161 = tpu.memref_squeeze %dma_wait3A_1160 : memref<1x128x128xf32, #tpu.memory_space<vmem>> -> memref<128x128xf32, #tpu.memory_space<vmem>>
      %dma_wait3A_1162 = arith.constant 0 : i32
      %dma_wait3A_1163 = tpu.memref_slice %arg6[%dma_wait3A_1155, %dma_wait3A_1156, %dma_wait3A_1162] : memref<2x8x128xi32, #tpu.memory_space<vmem>> -> memref<1x1x128xi32, #tpu.memory_space<vmem>>
      %dma_wait3A_1164 = tpu.memref_squeeze %dma_wait3A_1163 : memref<1x1x128xi32, #tpu.memory_space<vmem>> -> memref<128xi32, #tpu.memory_space<vmem>>
      %dma_wait3A_1165 = arith.constant 0 : i32
      %dma_wait3A_1166 = arith.constant 0 : i32
      %dma_wait3A_1167 = tpu.memref_slice %arg5[%dma_wait3A_1165, %dma_wait3A_1166] : memref<17x128xf32, #tpu.memory_space<vmem_shared>> -> memref<17x128xf32, #tpu.memory_space<vmem_shared>>
      tpu.wait_indirect_dma semaphore(%arg10 : memref<!tpu.dma_semaphore, #tpu.memory_space<semaphore_mem>>) src(%dma_wait3A_1167 : memref<17x128xf32, #tpu.memory_space<vmem_shared>>) dst(%dma_wait3A_1161 : memref<128x128xf32, #tpu.memory_space<vmem>>)
      %mul3A_1168 = arith.constant 8 : i32
      %mul3A_1169 = arith.muli %add3A_679, %mul3A_1168 : i32
      %add3A_1170 = arith.constant 7 : i32
      %add3A_1171 = arith.addi %mul3A_1169, %add3A_1170 : i32
      %lt3A_1172 = arith.constant 49 : i32
      %lt3A_1173 = arith.cmpi slt, %scan3A_100, %lt3A_1172 : i32
      %convert_element_type3A_1174 = arith.extui %lt3A_1173 : i1 to i32
      %cond3A_1175 = arith.constant 0 : i32
      %cond3A_1176 = arith.cmpi ne, %convert_element_type3A_1174, %cond3A_1175 : i32
      scf.if %cond3A_1176 {
        %add3A_1237 = arith.constant 1 : i32
        %add3A_1238 = arith.addi %add3A_679, %add3A_1237 : i32
        %mul3A_1239 = arith.constant 8 : i32
        %mul3A_1240 = arith.muli %add3A_1238, %mul3A_1239 : i32
        %add3A_1241 = arith.addi %mul3A_4, %mul3A_1240 : i32
        %multiple_of3A_1242 = tpu.assume_multiple %add3A_1241, 8 : i32
        %dma_wait3A_1243 = arith.constant 0 : i32
        %dma_wait3A_1244 = arith.constant 0 : i32
        %dma_wait3A_1245 = arith.constant 0 : i32
        %dma_wait3A_1246 = tpu.memref_slice %arg6[%dma_wait3A_1243, %dma_wait3A_1244, %dma_wait3A_1245] : memref<2x8x128xi32, #tpu.memory_space<vmem>> -> memref<1x8x128xi32, #tpu.memory_space<vmem>>
        %dma_wait3A_1247 = tpu.memref_squeeze %dma_wait3A_1246 : memref<1x8x128xi32, #tpu.memory_space<vmem>> -> memref<8x128xi32, #tpu.memory_space<vmem>>
        %dma_wait3A_1248 = arith.constant 0 : i32
        %dma_wait3A_1249 = tpu.memref_slice %arg2[%multiple_of3A_1242, %dma_wait3A_1248] : memref<25600x128xi32, #tpu.memory_space<hbm>> -> memref<8x128xi32, #tpu.memory_space<hbm>>
        %dma_wait3A_1250 = arith.constant 0 : i32
        %dma_wait3A_1251 = arith.constant 0 : i32
        %dma_wait3A_1252 = tpu.memref_slice %arg6[%dma_wait3A_1243, %dma_wait3A_1250, %dma_wait3A_1251] : memref<2x8x128xi32, #tpu.memory_space<vmem>> -> memref<1x8x128xi32, #tpu.memory_space<vmem>>
        %dma_wait3A_1253 = tpu.memref_squeeze %dma_wait3A_1252 : memref<1x8x128xi32, #tpu.memory_space<vmem>> -> memref<8x128xi32, #tpu.memory_space<vmem>>
        %dma_wait3A_1254 = arith.constant 0 : i32
        %dma_wait3A_1255 = tpu.memref_slice %arg2[%multiple_of3A_1242, %dma_wait3A_1254] : memref<25600x128xi32, #tpu.memory_space<hbm>> -> memref<8x128xi32, #tpu.memory_space<hbm>>
        tpu.wait_dma2 semaphore(%arg8 : memref<!tpu.dma_semaphore, #tpu.memory_space<semaphore_mem>>) src(%dma_wait3A_1255 : memref<8x128xi32, #tpu.memory_space<hbm>>) dst(%dma_wait3A_1253 : memref<8x128xi32, #tpu.memory_space<vmem>>)
        %add3A_1256 = arith.constant 1 : i32
        %add3A_1257 = arith.addi %add3A_1171, %add3A_1256 : i32
        %jit3A_1258 = arith.constant 2 : i32
        %div3A_1259 = arith.divsi %add3A_1257, %jit3A_1258 : i32
        %sign3A_1260 = arith.constant 0 : i32
        %sign3A_1261 = arith.cmpi sgt, %add3A_1257, %sign3A_1260 : i32
        %sign3A_1262 = arith.extui %sign3A_1261 : i1 to i32
        %sign3A_1263 = arith.constant 0 : i32
        %sign3A_1264 = arith.cmpi slt, %add3A_1257, %sign3A_1263 : i32
        %sign3A_1265 = arith.extui %sign3A_1264 : i1 to i32
        %sign3A_1266 = arith.subi %sign3A_1262, %sign3A_1265 : i32
        %sign3A_1267 = arith.constant 0 : i32
        %sign3A_1268 = arith.cmpi sgt, %jit3A_1258, %sign3A_1267 : i32
        %sign3A_1269 = arith.extui %sign3A_1268 : i1 to i32
        %sign3A_1270 = arith.constant 0 : i32
        %sign3A_1271 = arith.cmpi slt, %jit3A_1258, %sign3A_1270 : i32
        %sign3A_1272 = arith.extui %sign3A_1271 : i1 to i32
        %sign3A_1273 = arith.subi %sign3A_1269, %sign3A_1272 : i32
        %ne3A_1274 = arith.cmpi ne, %sign3A_1266, %sign3A_1273 : i32
        %rem3A_1275 = arith.remsi %add3A_1257, %jit3A_1258 : i32
        %ne3A_1276 = arith.constant 0 : i32
        %ne3A_1277 = arith.cmpi ne, %rem3A_1275, %ne3A_1276 : i32
        %and3A_1278 = arith.andi %ne3A_1274, %ne3A_1277 : i1
        %sub3A_1279 = arith.constant 1 : i32
        %sub3A_1280 = arith.subi %div3A_1259, %sub3A_1279 : i32
        %select_n3A_1281 = arith.select %and3A_1278, %sub3A_1280, %div3A_1259 : i32
        %sub3A_1282 = arith.constant 2 : i32
        %sub3A_1283 = arith.subi %select_n3A_1281, %sub3A_1282 : i32
        %mul3A_1284 = arith.constant 2 : i32
        %mul3A_1285 = arith.muli %sub3A_1283, %mul3A_1284 : i32
        %mul3A_1286 = arith.constant 128 : i32
        %mul3A_1287 = arith.muli %mul3A_1285, %mul3A_1286 : i32
        %add3A_1288 = arith.addi %mul3A_2, %mul3A_1287 : i32
        %dma_wait3A_1289 = arith.constant 0 : i32
        %dma_wait3A_1290 = arith.constant 0 : i32
        %dma_wait3A_1291 = arith.constant 0 : i32
        %dma_wait3A_1292 = tpu.memref_slice %arg7[%dma_wait3A_1289, %dma_wait3A_1290, %dma_wait3A_1291] : memref<2x256x128xf32, #tpu.memory_space<vmem>> -> memref<1x256x128xf32, #tpu.memory_space<vmem>>
        %dma_wait3A_1293 = tpu.memref_squeeze %dma_wait3A_1292 : memref<1x256x128xf32, #tpu.memory_space<vmem>> -> memref<256x128xf32, #tpu.memory_space<vmem>>
        %dma_wait3A_1294 = arith.constant 0 : i32
        %dma_wait3A_1295 = tpu.memref_slice %arg4[%add3A_1288, %dma_wait3A_1294] : memref<3276800x128xf32, #tpu.memory_space<hbm>> -> memref<256x128xf32, #tpu.memory_space<hbm>>
        %dma_wait3A_1296 = arith.constant 0 : i32
        %dma_wait3A_1297 = tpu.memref_slice %arg4[%add3A_1288, %dma_wait3A_1296] : memref<3276800x128xf32, #tpu.memory_space<hbm>> -> memref<256x128xf32, #tpu.memory_space<hbm>>
        %dma_wait3A_1298 = arith.constant 0 : i32
        %dma_wait3A_1299 = arith.constant 0 : i32
        %dma_wait3A_1300 = tpu.memref_slice %arg7[%dma_wait3A_1289, %dma_wait3A_1298, %dma_wait3A_1299] : memref<2x256x128xf32, #tpu.memory_space<vmem>> -> memref<1x256x128xf32, #tpu.memory_space<vmem>>
        %dma_wait3A_1301 = tpu.memref_squeeze %dma_wait3A_1300 : memref<1x256x128xf32, #tpu.memory_space<vmem>> -> memref<256x128xf32, #tpu.memory_space<vmem>>
        tpu.wait_dma2 semaphore(%arg12 : memref<!tpu.dma_semaphore, #tpu.memory_space<semaphore_mem>>) src(%dma_wait3A_1301 : memref<256x128xf32, #tpu.memory_space<vmem>>) dst(%dma_wait3A_1297 : memref<256x128xf32, #tpu.memory_space<hbm>>)
        %add3A_1302 = arith.constant 1 : i32
        %add3A_1303 = arith.addi %add3A_1171, %add3A_1302 : i32
        %dma_start3A_1304 = arith.constant 0 : i32
        %dma_start3A_1305 = arith.constant 0 : i32
        %dma_start3A_1306 = arith.constant 0 : i32
        %dma_start3A_1307 = arith.constant 0 : i32
        %dma_start3A_1308 = arith.constant 0 : i32
        %dma_start3A_1309 = tpu.memref_slice %arg7[%dma_start3A_1306, %dma_start3A_1307, %dma_start3A_1308] : memref<2x256x128xf32, #tpu.memory_space<vmem>> -> memref<1x128x128xf32, #tpu.memory_space<vmem>>
        %dma_start3A_1310 = tpu.memref_squeeze %dma_start3A_1309 : memref<1x128x128xf32, #tpu.memory_space<vmem>> -> memref<128x128xf32, #tpu.memory_space<vmem>>
        %dma_start3A_1311 = arith.constant 0 : i32
        %dma_start3A_1312 = tpu.memref_slice %arg6[%dma_start3A_1304, %dma_start3A_1305, %dma_start3A_1311] : memref<2x8x128xi32, #tpu.memory_space<vmem>> -> memref<1x1x128xi32, #tpu.memory_space<vmem>>
        %dma_start3A_1313 = tpu.memref_squeeze %dma_start3A_1312 : memref<1x1x128xi32, #tpu.memory_space<vmem>> -> memref<128xi32, #tpu.memory_space<vmem>>
        %dma_start3A_1314 = arith.constant 0 : i32
        %dma_start3A_1315 = arith.constant 0 : i32
        %dma_start3A_1316 = tpu.memref_slice %arg5[%dma_start3A_1314, %dma_start3A_1315] : memref<17x128xf32, #tpu.memory_space<vmem_shared>> -> memref<17x128xf32, #tpu.memory_space<vmem_shared>>
        tpu.enqueue_indirect_dma source(%dma_start3A_1316 : memref<17x128xf32, #tpu.memory_space<vmem_shared>>) target(%dma_start3A_1310 : memref<128x128xf32, #tpu.memory_space<vmem>>) offsets(%dma_start3A_1313 : memref<128xi32, #tpu.memory_space<vmem>>) semaphore(%arg10 : memref<!tpu.dma_semaphore, #tpu.memory_space<semaphore_mem>>)
      } else {
      }
      %dma_wait3A_1177 = arith.constant 1 : i32
      %dma_wait3A_1178 = arith.constant 7 : i32
      %dma_wait3A_1179 = arith.constant 1 : i32
      %dma_wait3A_1180 = arith.constant 128 : i32
      %dma_wait3A_1181 = arith.constant 0 : i32
      %dma_wait3A_1182 = tpu.memref_slice %arg7[%dma_wait3A_1179, %dma_wait3A_1180, %dma_wait3A_1181] : memref<2x256x128xf32, #tpu.memory_space<vmem>> -> memref<1x128x128xf32, #tpu.memory_space<vmem>>
      %dma_wait3A_1183 = tpu.memref_squeeze %dma_wait3A_1182 : memref<1x128x128xf32, #tpu.memory_space<vmem>> -> memref<128x128xf32, #tpu.memory_space<vmem>>
      %dma_wait3A_1184 = arith.constant 0 : i32
      %dma_wait3A_1185 = tpu.memref_slice %arg6[%dma_wait3A_1177, %dma_wait3A_1178, %dma_wait3A_1184] : memref<2x8x128xi32, #tpu.memory_space<vmem>> -> memref<1x1x128xi32, #tpu.memory_space<vmem>>
      %dma_wait3A_1186 = tpu.memref_squeeze %dma_wait3A_1185 : memref<1x1x128xi32, #tpu.memory_space<vmem>> -> memref<128xi32, #tpu.memory_space<vmem>>
      %dma_wait3A_1187 = arith.constant 0 : i32
      %dma_wait3A_1188 = arith.constant 0 : i32
      %dma_wait3A_1189 = tpu.memref_slice %arg5[%dma_wait3A_1187, %dma_wait3A_1188] : memref<17x128xf32, #tpu.memory_space<vmem_shared>> -> memref<17x128xf32, #tpu.memory_space<vmem_shared>>
      tpu.wait_indirect_dma semaphore(%arg11 : memref<!tpu.dma_semaphore, #tpu.memory_space<semaphore_mem>>) src(%dma_wait3A_1189 : memref<17x128xf32, #tpu.memory_space<vmem_shared>>) dst(%dma_wait3A_1183 : memref<128x128xf32, #tpu.memory_space<vmem>>)
      %jit3A_1190 = arith.constant 2 : i32
      %div3A_1191 = arith.divsi %add3A_1171, %jit3A_1190 : i32
      %sign3A_1192 = arith.constant 0 : i32
      %sign3A_1193 = arith.cmpi sgt, %add3A_1171, %sign3A_1192 : i32
      %sign3A_1194 = arith.extui %sign3A_1193 : i1 to i32
      %sign3A_1195 = arith.constant 0 : i32
      %sign3A_1196 = arith.cmpi slt, %add3A_1171, %sign3A_1195 : i32
      %sign3A_1197 = arith.extui %sign3A_1196 : i1 to i32
      %sign3A_1198 = arith.subi %sign3A_1194, %sign3A_1197 : i32
      %sign3A_1199 = arith.constant 0 : i32
      %sign3A_1200 = arith.cmpi sgt, %jit3A_1190, %sign3A_1199 : i32
      %sign3A_1201 = arith.extui %sign3A_1200 : i1 to i32
      %sign3A_1202 = arith.constant 0 : i32
      %sign3A_1203 = arith.cmpi slt, %jit3A_1190, %sign3A_1202 : i32
      %sign3A_1204 = arith.extui %sign3A_1203 : i1 to i32
      %sign3A_1205 = arith.subi %sign3A_1201, %sign3A_1204 : i32
      %ne3A_1206 = arith.cmpi ne, %sign3A_1198, %sign3A_1205 : i32
      %rem3A_1207 = arith.remsi %add3A_1171, %jit3A_1190 : i32
      %ne3A_1208 = arith.constant 0 : i32
      %ne3A_1209 = arith.cmpi ne, %rem3A_1207, %ne3A_1208 : i32
      %and3A_1210 = arith.andi %ne3A_1206, %ne3A_1209 : i1
      %sub3A_1211 = arith.constant 1 : i32
      %sub3A_1212 = arith.subi %div3A_1191, %sub3A_1211 : i32
      %select_n3A_1213 = arith.select %and3A_1210, %sub3A_1212, %div3A_1191 : i32
      %mul3A_1214 = arith.constant 2 : i32
      %mul3A_1215 = arith.muli %select_n3A_1213, %mul3A_1214 : i32
      %mul3A_1216 = arith.constant 128 : i32
      %mul3A_1217 = arith.muli %mul3A_1215, %mul3A_1216 : i32
      %add3A_1218 = arith.addi %mul3A_2, %mul3A_1217 : i32
      %dma_start3A_1219 = arith.constant 1 : i32
      %dma_start3A_1220 = arith.constant 0 : i32
      %dma_start3A_1221 = arith.constant 0 : i32
      %dma_start3A_1222 = tpu.memref_slice %arg7[%dma_start3A_1219, %dma_start3A_1220, %dma_start3A_1221] : memref<2x256x128xf32, #tpu.memory_space<vmem>> -> memref<1x256x128xf32, #tpu.memory_space<vmem>>
      %dma_start3A_1223 = tpu.memref_squeeze %dma_start3A_1222 : memref<1x256x128xf32, #tpu.memory_space<vmem>> -> memref<256x128xf32, #tpu.memory_space<vmem>>
      %dma_start3A_1224 = arith.constant 0 : i32
      %dma_start3A_1225 = tpu.memref_slice %arg4[%add3A_1218, %dma_start3A_1224] : memref<3276800x128xf32, #tpu.memory_space<hbm>> -> memref<256x128xf32, #tpu.memory_space<hbm>>
      %dma_start3A_1226 = arith.constant 0 : i32
      %dma_start3A_1227 = tpu.memref_slice %arg4[%add3A_1218, %dma_start3A_1226] : memref<3276800x128xf32, #tpu.memory_space<hbm>> -> memref<256x128xf32, #tpu.memory_space<hbm>>
      %dma_start3A_1228 = arith.constant 0 : i32
      %dma_start3A_1229 = arith.constant 0 : i32
      %dma_start3A_1230 = tpu.memref_slice %arg7[%dma_start3A_1219, %dma_start3A_1228, %dma_start3A_1229] : memref<2x256x128xf32, #tpu.memory_space<vmem>> -> memref<1x256x128xf32, #tpu.memory_space<vmem>>
      %dma_start3A_1231 = tpu.memref_squeeze %dma_start3A_1230 : memref<1x256x128xf32, #tpu.memory_space<vmem>> -> memref<256x128xf32, #tpu.memory_space<vmem>>
      tpu.enqueue_dma source(%dma_start3A_1231 : memref<256x128xf32, #tpu.memory_space<vmem>>) target(%dma_start3A_1227 : memref<256x128xf32, #tpu.memory_space<hbm>>) target_semaphore(%arg13 : memref<!tpu.dma_semaphore, #tpu.memory_space<semaphore_mem>>)
      %lt3A_1232 = arith.constant 49 : i32
      %lt3A_1233 = arith.cmpi slt, %scan3A_100, %lt3A_1232 : i32
      %convert_element_type3A_1234 = arith.extui %lt3A_1233 : i1 to i32
      %cond3A_1235 = arith.constant 0 : i32
      %cond3A_1236 = arith.cmpi ne, %convert_element_type3A_1234, %cond3A_1235 : i32
      scf.if %cond3A_1236 {
        %add3A_1237 = arith.constant 2 : i32
        %add3A_1238 = arith.addi %add3A_679, %add3A_1237 : i32
        %mul3A_1239 = arith.constant 8 : i32
        %mul3A_1240 = arith.muli %add3A_1238, %mul3A_1239 : i32
        %add3A_1241 = arith.addi %mul3A_4, %mul3A_1240 : i32
        %multiple_of3A_1242 = tpu.assume_multiple %add3A_1241, 8 : i32
        %dma_start3A_1243 = arith.constant 1 : i32
        %dma_start3A_1244 = arith.constant 0 : i32
        %dma_start3A_1245 = arith.constant 0 : i32
        %dma_start3A_1246 = tpu.memref_slice %arg6[%dma_start3A_1243, %dma_start3A_1244, %dma_start3A_1245] : memref<2x8x128xi32, #tpu.memory_space<vmem>> -> memref<1x8x128xi32, #tpu.memory_space<vmem>>
        %dma_start3A_1247 = tpu.memref_squeeze %dma_start3A_1246 : memref<1x8x128xi32, #tpu.memory_space<vmem>> -> memref<8x128xi32, #tpu.memory_space<vmem>>
        %dma_start3A_1248 = arith.constant 0 : i32
        %dma_start3A_1249 = tpu.memref_slice %arg2[%multiple_of3A_1242, %dma_start3A_1248] : memref<25600x128xi32, #tpu.memory_space<hbm>> -> memref<8x128xi32, #tpu.memory_space<hbm>>
        %dma_start3A_1250 = arith.constant 0 : i32
        %dma_start3A_1251 = arith.constant 0 : i32
        %dma_start3A_1252 = tpu.memref_slice %arg6[%dma_start3A_1243, %dma_start3A_1250, %dma_start3A_1251] : memref<2x8x128xi32, #tpu.memory_space<vmem>> -> memref<1x8x128xi32, #tpu.memory_space<vmem>>
        %dma_start3A_1253 = tpu.memref_squeeze %dma_start3A_1252 : memref<1x8x128xi32, #tpu.memory_space<vmem>> -> memref<8x128xi32, #tpu.memory_space<vmem>>
        %dma_start3A_1254 = arith.constant 0 : i32
        %dma_start3A_1255 = tpu.memref_slice %arg2[%multiple_of3A_1242, %dma_start3A_1254] : memref<25600x128xi32, #tpu.memory_space<hbm>> -> memref<8x128xi32, #tpu.memory_space<hbm>>
        tpu.enqueue_dma source(%dma_start3A_1255 : memref<8x128xi32, #tpu.memory_space<hbm>>) target(%dma_start3A_1253 : memref<8x128xi32, #tpu.memory_space<vmem>>) target_semaphore(%arg9 : memref<!tpu.dma_semaphore, #tpu.memory_space<semaphore_mem>>)
      } else {
      }
    }
    %scan3A_69 = arith.constant 50 : i32
    %add3A_70 = arith.constant 101888 : i32
    %add3A_71 = arith.addi %mul3A_2, %add3A_70 : i32
    %dma_wait3A_72 = arith.constant 0 : i32
    %dma_wait3A_73 = arith.constant 0 : i32
    %dma_wait3A_74 = arith.constant 0 : i32
    %dma_wait3A_75 = tpu.memref_slice %arg7[%dma_wait3A_72, %dma_wait3A_73, %dma_wait3A_74] : memref<2x256x128xf32, #tpu.memory_space<vmem>> -> memref<1x256x128xf32, #tpu.memory_space<vmem>>
    %dma_wait3A_76 = tpu.memref_squeeze %dma_wait3A_75 : memref<1x256x128xf32, #tpu.memory_space<vmem>> -> memref<256x128xf32, #tpu.memory_space<vmem>>
    %dma_wait3A_77 = arith.constant 0 : i32
    %dma_wait3A_78 = tpu.memref_slice %arg4[%add3A_71, %dma_wait3A_77] : memref<3276800x128xf32, #tpu.memory_space<hbm>> -> memref<256x128xf32, #tpu.memory_space<hbm>>
    %dma_wait3A_79 = arith.constant 0 : i32
    %dma_wait3A_80 = tpu.memref_slice %arg4[%add3A_71, %dma_wait3A_79] : memref<3276800x128xf32, #tpu.memory_space<hbm>> -> memref<256x128xf32, #tpu.memory_space<hbm>>
    %dma_wait3A_81 = arith.constant 0 : i32
    %dma_wait3A_82 = arith.constant 0 : i32
    %dma_wait3A_83 = tpu.memref_slice %arg7[%dma_wait3A_72, %dma_wait3A_81, %dma_wait3A_82] : memref<2x256x128xf32, #tpu.memory_space<vmem>> -> memref<1x256x128xf32, #tpu.memory_space<vmem>>
    %dma_wait3A_84 = tpu.memref_squeeze %dma_wait3A_83 : memref<1x256x128xf32, #tpu.memory_space<vmem>> -> memref<256x128xf32, #tpu.memory_space<vmem>>
    tpu.wait_dma2 semaphore(%arg12 : memref<!tpu.dma_semaphore, #tpu.memory_space<semaphore_mem>>) src(%dma_wait3A_84 : memref<256x128xf32, #tpu.memory_space<vmem>>) dst(%dma_wait3A_80 : memref<256x128xf32, #tpu.memory_space<hbm>>)
    %add3A_85 = arith.constant 102144 : i32
    %add3A_86 = arith.addi %mul3A_2, %add3A_85 : i32
    %dma_wait3A_87 = arith.constant 1 : i32
    %dma_wait3A_88 = arith.constant 0 : i32
    %dma_wait3A_89 = arith.constant 0 : i32
    %dma_wait3A_90 = tpu.memref_slice %arg7[%dma_wait3A_87, %dma_wait3A_88, %dma_wait3A_89] : memref<2x256x128xf32, #tpu.memory_space<vmem>> -> memref<1x256x128xf32, #tpu.memory_space<vmem>>
    %dma_wait3A_91 = tpu.memref_squeeze %dma_wait3A_90 : memref<1x256x128xf32, #tpu.memory_space<vmem>> -> memref<256x128xf32, #tpu.memory_space<vmem>>
    %dma_wait3A_92 = arith.constant 0 : i32
    %dma_wait3A_93 = tpu.memref_slice %arg4[%add3A_86, %dma_wait3A_92] : memref<3276800x128xf32, #tpu.memory_space<hbm>> -> memref<256x128xf32, #tpu.memory_space<hbm>>
    %dma_wait3A_94 = arith.constant 0 : i32
    %dma_wait3A_95 = tpu.memref_slice %arg4[%add3A_86, %dma_wait3A_94] : memref<3276800x128xf32, #tpu.memory_space<hbm>> -> memref<256x128xf32, #tpu.memory_space<hbm>>
    %dma_wait3A_96 = arith.constant 0 : i32
    %dma_wait3A_97 = arith.constant 0 : i32
    %dma_wait3A_98 = tpu.memref_slice %arg7[%dma_wait3A_87, %dma_wait3A_96, %dma_wait3A_97] : memref<2x256x128xf32, #tpu.memory_space<vmem>> -> memref<1x256x128xf32, #tpu.memory_space<vmem>>
    %dma_wait3A_99 = tpu.memref_squeeze %dma_wait3A_98 : memref<1x256x128xf32, #tpu.memory_space<vmem>> -> memref<256x128xf32, #tpu.memory_space<vmem>>
    tpu.wait_dma2 semaphore(%arg13 : memref<!tpu.dma_semaphore, #tpu.memory_space<semaphore_mem>>) src(%dma_wait3A_99 : memref<256x128xf32, #tpu.memory_space<vmem>>) dst(%dma_wait3A_95 : memref<256x128xf32, #tpu.memory_space<hbm>>)
    return
  }
}

</mosaic_0001>

<sc_bundles>
// kernel: kernel.3.cloned.1.call-start
scs
__scs_entry_jumppad:
0x0: {  	(pc) =	sbr.rel $0x88, $3  }
0x1: {  	(tag) =	ssettag $0x0;
	lr =	simm.s32 $0x1  }
0x2: {  	[smem:$0x3F9F] =	sst lr;
	_ =	strace $0xD0000000  }
0x3: {  	_ = 	snop  }
0x4: {  	_ = 	snop  }
0x5: {  	_ = 	snop  }
0x6: {  	_ = 	snop  }
0x7: {  	_ = 	snop  }
__scs_overlays_trampoline_lowered:
0x8: {  	[smem:$0x3FAE] =	sst s0  }
0x9: {  	[smem:$0x3FAF] =	sst s1  }
0xa: {  	[smem:$0x3FB0] =	sst s2  }
0xb: {  	[smem:$0x3FB1] =	sst s3  }
0xc: {  	[smem:$0x3FB2] =	sst s4  }
0xd: {  	[smem:$0x3FB3] =	sst s5  }
0xe: {  	[smem:$0x3FB4] =	sst s6  }
0xf: {  	[smem:$0x3FB5] =	sst s7  }
0x10: {  	[smem:$0x3FB6] =	sst s8  }
0x11: {  	[smem:$0x3FB7] =	sst s9;
	s0 =	simm.s32 @!p0 $0x0  }
0x12: {  	s1 =	sld [smem:$0x3F9D];
	s0 =	simm.s32 @p0 $0x1  }
0x13: {  	[smem:$0x3FB8] =	sst s0;
	s0 =	simm.s32 @!p1 $0x0  }
0x14: {  	s2 =	sld [smem:$0x3F9C];
	s0 =	simm.s32 @p1 $0x1  }
0x15: {  	[smem:$0x3FB9] =	sst s0;
	s0 =	simm.s32 @!p2 $0x0  }
0x16: {  	s3 =	sld [smem:$0x3FDB];
	s0 =	simm.s32 @p2 $0x1  }
0x17: {  	s4 =	simm.s32 $0x1BF5;
	[smem:$0x3FBB] =	sst s0  }
0x18: {  	s0 =	sld [smem:$0x3F9E];
	_ =	swait.ge [sflag:s4], $0x0  }
0x19: {  	s7 =	sld [smem:$0x3F9F]  }
0x1a: {  	s8 =	sadd.s32 $0xFFFFE003, lr  }
0x1b: {  	s9 =	sadd.s32 $0xFFFFFEF7, lr;
	s5 =	simm.s32 $0xFFFFFFFF;
	p2 =	slt.u32 s8, $0xFFFFF086  }
0x1c: {  	p1 =	slt.u32 s9, $0xF7A;
	s5 =	simm.s32 @!p2 $0x0  }
0x1d: {  	s5 =	simm.s32 @p1 $0x1;
	p0 =	seq.s32 s7, s2  }
0x1e: {  	s7 =	smul.u32 @!p0 $0xF7A, s2;
	p2 =	seq.s32 @!p0 s5, $0x0  }
0x1f: {  	s9 =	smul.u32 $0xF7A, s1;
	s8 =	simm.s32 @!p0 $0x1BF5;
	p2 =	por !p2, p0  }
0x20: {  	[sflag:s8] =	ssyncset.s32 @!p0 $0xFFFFF086;
	s6 =	sadd.s32 @!p0 s3, s7;
	s7 =	simm.s32 @!p0 $0x108  }
0x21: {  	s3 =	sadd.s32 s3, s9;
	s6 =	sadd.s32 @!p0 $0x88, s6;
	s7 =	simm.s32 @p2 $0x1082  }
0x22: {  	[simem:s7], [sflag:s8] =	dma.local @!p0 [hbm:s6], $0xF7A  }
0x23: {  	s9 =	sor.u32 $0xD0000000, s2;
	s6 =	simm.s32 $0x108;
	_ =	swait.ge @!p0 [sflag:s8], $0x0  }
0x24: {  	s3 =	sadd.s32 $0x88, s3;
	s6 =	simm.s32 @!p1 $0x1082;
	[sflag:s4] =	ssyncset.s32 $0xFFFFF086  }
0x25: {  	[simem:s6], [sflag:s4] =	dma.local [hbm:s3], $0xF7A  }
0x26: {  	[smem:$0x3F9F] =	sst s1;
	(tag) =	ssettag s2;
	_ =	strace s9  }
0x27: {  	s1 =	sld [smem:$0x3FAF]  }
0x28: {  	s2 =	sld [smem:$0x3FB0]  }
0x29: {  	s4 =	sld [smem:$0x3FB2]  }
0x2a: {  	p0 =	seq.s32 s5, $0x0;
	s5 =	sld [smem:$0x3FB3]  }
0x2b: {  	s6 =	sld [smem:$0x3FB4]  }
0x2c: {  	s7 =	sld [smem:$0x3FB5]  }
0x2d: {  	s3 =	simm.s32 $0x108;
	s8 =	sld [smem:$0x3FB6]  }
0x2e: {  	s3 =	simm.s32 @!p0 $0x1082;
	s9 =	sld [smem:$0x3FB7]  }
0x2f: {  	lr =	sadd.s32 s0, s3;
	s0 =	sld [smem:$0x3FAE]  }
0x30: {  	s3 =	sld [smem:$0x3FB1]  }
0x31: {  	[smem:$0x3FBA] =	sst s10  }
0x32: {  	s10 =	sld [smem:$0x3FB8];
	_ =	sdelay $0x3  }
0x33: {  	p0 =	seq.s32 s10, $0x1;
	s10 =	sld [smem:$0x3FBA];
	_ =	sdelay $0x3  }
0x34: {  	[smem:$0x3FBA] =	sst s10  }
0x35: {  	s10 =	sld [smem:$0x3FB9];
	_ =	sdelay $0x3  }
0x36: {  	p1 =	seq.s32 s10, $0x1;
	s10 =	sld [smem:$0x3FBA];
	_ =	sdelay $0x3  }
0x37: {  	[smem:$0x3FBA] =	sst s10  }
0x38: {  	s10 =	sld [smem:$0x3FBB]  }
0x39: {  	_ = 	snop;
	(pc) =	sbr.ind lr, $3  }
0x3a: {  	_ = 	snop  }
0x3b: {  	_ = 	snop  }
0x3c: {  	p2 =	seq.s32 s10, $0x1;
	s10 =	sld [smem:$0x3FBA]  }
0x3d: {  	_ =	shalt  }
0x3e: {  	_ =	shalt  }
0x3f: {  	_ =	shalt  }
0x40: {  	_ =	shalt  }
0x41: {  	_ =	shalt  }
0x42: {  	_ =	shalt  }
0x43: {  	_ =	shalt  }
0x44: {  	_ =	shalt  }
0x45: {  	_ =	shalt  }
0x46: {  	_ =	shalt  }
0x47: {  	_ =	shalt  }
0x48: {  	_ =	shalt  }
0x49: {  	_ =	shalt  }
0x4a: {  	_ =	shalt  }
0x4b: {  	_ =	shalt  }
0x4c: {  	_ =	shalt  }
0x4d: {  	_ =	shalt  }
0x4e: {  	_ =	shalt  }
0x4f: {  	_ =	shalt  }
0x50: {  	_ =	shalt  }
0x51: {  	_ =	shalt  }
0x52: {  	_ =	shalt  }
0x53: {  	_ =	shalt  }
0x54: {  	_ =	shalt  }
0x55: {  	_ =	shalt  }
0x56: {  	_ =	shalt  }
0x57: {  	_ =	shalt  }
0x58: {  	_ =	shalt  }
0x59: {  	_ =	shalt  }
0x5a: {  	_ =	shalt  }
0x5b: {  	_ =	shalt  }
0x5c: {  	_ =	shalt  }
0x5d: {  	_ =	shalt  }
0x5e: {  	_ =	shalt  }
0x5f: {  	_ =	shalt  }
0x60: {  	_ =	shalt  }
0x61: {  	_ =	shalt  }
0x62: {  	_ =	shalt  }
0x63: {  	_ =	shalt  }
0x64: {  	_ =	shalt  }
0x65: {  	_ =	shalt  }
0x66: {  	_ =	shalt  }
0x67: {  	_ =	shalt  }
0x68: {  	_ =	shalt  }
0x69: {  	_ =	shalt  }
0x6a: {  	_ =	shalt  }
0x6b: {  	_ =	shalt  }
0x6c: {  	_ =	shalt  }
0x6d: {  	_ =	shalt  }
0x6e: {  	_ =	shalt  }
0x6f: {  	_ =	shalt  }
0x70: {  	_ =	shalt  }
0x71: {  	_ =	shalt  }
0x72: {  	_ =	shalt  }
0x73: {  	_ =	shalt  }
0x74: {  	_ =	shalt  }
0x75: {  	_ =	shalt  }
0x76: {  	_ =	shalt  }
0x77: {  	_ =	shalt  }
0x78: {  	_ =	shalt  }
0x79: {  	_ =	shalt  }
0x7a: {  	_ =	shalt  }
0x7b: {  	_ =	shalt  }
0x7c: {  	_ =	shalt  }
0x7d: {  	_ =	shalt  }
0x7e: {  	_ =	shalt  }
0x7f: {  	_ =	shalt  }
0x80: {  	_ =	shalt  }
0x81: {  	_ =	shalt  }
0x82: {  	_ =	shalt  }
0x83: {  	_ =	shalt  }
0x84: {  	_ =	shalt  }
0x85: {  	_ =	shalt  }
0x86: {  	_ =	shalt  }
0x87: {  	_ =	shalt  }
.Lfunc_end0:
.L_simem_size_0:
called_computation_lowered:
.L_overlay_start_0:
0x88: {  	s2 =	sld [smem:$0x3FD9]  }
0x89: {  	s3 =	sld [smem:$0x3FFE];
	_ =	sdelay $0x1  }
0x8a: {  	s1 =	srdreg.scid  }
0x8b: {  	s0 =	sand.u32 $0x1, s1  }
0x8c: {  	s17 =	sshll.u32 s0, $0xA;
	s2 =	sadd.s32 s3, s2  }
0x8d: {  	s2 =	sadd.s32 s2, s17  }
0x8e: {  	[smem:$0x3FC6] =	sst s2  }
0x8f: {  	_ = 	snop  }
0x90: {  	s2 =	sld [smem:$0x3FC8]  }
0x91: {  	s18 =	sld [smem:$0x3FD0];
	(tm) =	ssettm $0x1  }
0x92: {  	s4 =	sld [smem:$0x3FFB];
	_ =	sdelay $0x3  }
0x93: {  	_ =	strace s4  }
0x94: {  	s4 =	sld [smem:$0x3FFC];
	_ =	sdelay $0x3  }
0x95: {  	_ =	strace s4  }
0x96: {  	s4 =	sld [smem:$0x3FFD];
	_ =	sdelay $0x3  }
0x97: {  	_ =	strace s4  }
0x98: {  	_ =	strace $0x8FFFFFFF  }
0x99: {  	s19 =	sld [smem:$0x3FDB];
	_ =	sdelay $0x1  }
0x9a: {  	s5 =	simm.s32 $_scs_section_size  }
0x9b: {  	s6 =	simm.s32 $_size__tile_overlayer_lowered;
	s7 =	simm.s32 $_tile_overlayer_lowered  }
0x9c: {  	s22 =	simm.s32 $0x1BFF;
	s21 =	sshll.u32 s7, $0x1;
	s4 =	sadd.s32 s5, s19  }
0x9d: {  	s8 =	simm.s32 $0x0;
	s20 =	sshll.u32 s6, $0x1;
	s6 =	sadd.s32 s21, s4  }
0x9e: {  	[timem:s8], [sflag:s22] =	dma.local [hbm:s6], s20  }
0x9f: {  	_ =	swait.ge [sflag:s22], s20  }
0xa0: {  	s5 =	ssub.s32 $0x0, s20;
	[sflag:s22] =	ssyncset.done $0x0  }
0xa1: {  	[sflag:s22] =	ssyncadd.s32 s5;
	_ =	sdelay $0x1  }
0xa2: {  	s23 =	simm.s32 $0x1B8B  }
0xa3: {  	_ =	swait.ge [sflag:s23], $0x1  }
0xa4: {  	[sflag:s23] =	ssyncset.done $0x0  }
0xa5: {  	s25 =	simm.s32 $0x1B8E;
	s24 =	sld [smem:$0x3FFE];
	[sflag:s23] =	ssyncadd.s32 $0xFFFFFFFF  }
0xa6: {  	s26 =	simm.s32 $execute0_lowered;
	[smem:$0x3FD2] =	sst s25  }
0xa7: {  	s6 =	sshll.u32 s26, $0x1;
	_ =	strace $0x80000046;
	[dreg:$0x1] =	wrdreg $0xFFFFFFFF  }
0xa8: {  	s28 =	simm.s32 $_size_execute0_lowered;
	s4 =	sadd.s32 s4, s6;
	[dreg:$0x0] =	wrdreg $0x0  }
0xa9: {  	s6 =	sshll.u32 s28, $0x1;
	[dreg:$0x2] =	wrdreg s4  }
0xaa: {  	[dreg:$0x3] =	wrdreg s6  }
0xab: {  	[dreg:$0x4] =	wrdreg $0xC0  }
0xac: {  	_ =	task [dreg:s8], $0x5FFFF  }
0xad: {  	[dreg:$0x1] =	wrdreg $0xFFFFFFFF  }
0xae: {  	[dreg:$0x0] =	wrdreg $0x60  }
0xaf: {  	[dreg:$0x2] =	wrdreg s24  }
0xb0: {  	[dreg:$0x3] =	wrdreg s2  }
0xb1: {  	[dreg:$0x4] =	wrdreg s18  }
0xb2: {  	[dreg:$0x5] =	wrdreg $0x0  }
0xb3: {  	[dreg:$0x6] =	wrdreg $0x9  }
0xb4: {  	_ =	task.clear_ibuf [dreg:s8], $0x7FFFF;
	_ =	strace $0x90000046  }
0xb5: {  	s29 =	simm.s32 $0x9;
	_ =	strace $0x80000048  }
0xb6: {  	_ =	swait.ge [sflag:s29], $0x1  }
0xb7: {  	[sflag:s29] =	ssyncadd.s32 $0xFFFFFFFF  }
0xb8: {  	_ =	strace $0x90000048  }
0xb9: {  	_ =	sfence  }
0xba: {  	s30 =	sld [smem:$0x0];
	_ =	sdelay $0x2  }
0xbb: {  	s31 =	sshll.u32 s1, $0xD;
	s1 =	sshrl.u32 s1, $0x2  }
0xbc: {  	s3 =	sand.u32 $0x4000, s31;
	s1 =	sadd.s32 s1, s30  }
0xbd: {  	s0 =	sor.u32 s3, s0;
	s1 =	sshll.u32 s1, $0x11  }
0xbe: {  	s0 =	sor.u32 s1, s0  }
0xbf: {  	s0 =	sadd.s32 $0x8F2B, s0  }
0xc0: {  	[sflag:s0] =	ssyncadd.remote.s32 $0x1  }
0xc1: {  	_ =	sfence.sel $0xFFFF  }
0xc2: {  	[dreg:$0x0] =	wrdreg $0xFFFFFFFF;
	(pc) =	sbr.abs _section_cstart, $3  }
0xc3: {  	[dreg:$0x1] =	wrdreg $0xFFFFFFFF  }
0xc4: {  	_ =	task.clear_ibuf [dreg:s8], $0x2FFFF;
	_ =	strace $0x9FFFFFFF  }
0xc5: {  	(tm) =	ssettm $0x7FFFFFFF  }
tec
execute0_lowered:
.L_overlay_start_1:
0x0: {  	(tag) =	ssettag $0x1  }
0x1: {  	s0 =	rddreg [dreg:$0x0]  }
0x2: {  	s1 =	srdreg.scid;
	s5 =	rddreg [dreg:$0x2]  }
0x3: {  	s4 =	stileid.u32;
	s2 =	rddreg [dreg:$0x3]  }
0x4: {  	s28 =	simm.s32 $0x8888;
	s29 =	simm.s32 $0x4;
	s31 =	simm.s32 $0xC888  }
0x5: {  	s30 =	simm.s32 $0x708;
	s1 =	sand.u32 $0x1, s1;
	s9 =	smul.u32 $0x6400, s4  }
0x6: {  	s3 =	sshll.u32 s4, $0x1;
	s0 =	sadd.s32 $0x400, s0;
	s11 =	smul.u32 $0x1900000, s4  }
0x7: {  	p0 =	sne.s32 s4, $0x0;
	s6 =	sor.u32 s1, s3;
	s15 =	smul.u32 $0xC80000, s1  }
0x8: {  	s3 =	simm.s32 $0x0;
	s8 =	ssub.s32 $0x2, s1;
	s7 =	smul.u32 $0x3200, s6  }
0x9: {  	[smem:$0x7FF] =	sst s3;
	s6 =	smul.u32 $0xC80000, s6;
	s10 =	sshrl.u32 s8, $0x1  }
0xa: {  	s1 =	smul.u32 $0x3200, s1;
	_ =	strace $0x80000047;
	s8 =	ssub.s32 s8, s10  }
0xb: {  	s14 =	sadd.s32 s0, s7;
	s8 =	smax.u32 s8, $0x1;
	s6 =	sshrl.u32 s6, $0x3  }
0xc: {  	s0 =	sadd.s32 s9, s0;
	s7 =	sadd.s32 s15, s11;
	[dreg:$0x5] =	wrdreg s14  }
0xd: {  	s10 =	sadd.s32 $0x80, s14;
	[dreg:$0x7] =	wrdreg s8;
	s6 =	sadd.s32 s5, s6  }
0xe: {  	s0 =	sadd.s32 s1, s0;
	s16 =	sor.u32 $0x38000, s7;
	s18 =	sor.u32 $0x30000, s7  }
0xf: {  	s19 =	sor.u32 $0x28000, s7;
	s20 =	sor.u32 $0x20000, s7;
	s22 =	sor.u32 $0x18000, s7  }
0x10: {  	s23 =	sor.u32 $0x10000, s7;
	s24 =	sor.u32 $0x8000, s7;
	s26 =	sshrl.u32 s7, $0x3  }
0x11: {  	s8 =	simm.s32 $0x2;
	s7 =	simm.s32 $0x0;
	[dreg:$0x6] =	wrdreg s10  }
0x12: {  	s6 =	sadd.s32 $0x18F000, s6;
	s0 =	sadd.s32 $0x180, s0;
	s17 =	sshrl.u32 s16, $0x3  }
0x13: {  	s1 =	sshrl.u32 s19, $0x3;
	s21 =	sshrl.u32 s20, $0x3;
	s25 =	sshrl.u32 s24, $0x3  }
0x14: {  	s16 =	sadd.s32 s26, s5;
	s19 =	simm.s32 $0x488;
	s20 =	simm.s32 $0x1  }
0x15: {  	s24 =	simm.s32 $0x4888;
	s26 =	simm.s32 $0x88;
	[dreg:$0x8] =	wrdreg s6  }
0x16: {  	[dreg:$0x9] =	wrdreg s0;
	s9 =	sadd.s32 s17, s5;
	s0 =	sshrl.u32 s18, $0x3  }
0x17: {  	s11 =	sadd.s32 s1, s5;
	s12 =	sadd.s32 s21, s5;
	s1 =	sshrl.u32 s23, $0x3  }
.Ltmp0:
0x18: {  	s15 =	sadd.s32 s25, s5;
	s21 =	simm.s32 $0x80;
	(pc) =	sbr.rel .LBB2_1-.Ltmp0, $4  }
0x19: {  	s25 =	simm.s32 $0x3;
	s6 =	simm.s32 $0x6;
	s10 =	sadd.s32 s0, s5  }
0x1a: {  	s0 =	sshrl.u32 s22, $0x3;
	s14 =	sadd.s32 s1, s5;
	s22 =	simm.s32 $0x888  }
0x1b: {  	s1 =	simm.s32 $0x5;
	s13 =	sadd.s32 s0, s5;
	s0 =	sshrl.u32 @!p0 s2, $0x3  }
0x1c: {  	s5 =	simm.s32 $0x808;
	[dreg:$0xa] =	wrdreg s0;
	s0 =	simm.s32 $0x788  }
.LBB2_4:
0x1d: {  	_ =	swait.ge [sflag:s29], $0x4000  }
0x1e: {  	[sflag:s29] =	ssyncset.done $0x0  }
0x1f: {  	s4 =	rddreg [dreg:$0x8];
	[sflag:s29] =	ssyncadd.s32 $0xFFFFC000  }
0x20: {  	[hbm4b:s4+s3] =	stream.linear.scatter [tilespmem:s28], [sflag:$0x6], $0x8000, $0x38;
	[tilespmem:$0x10888] =	vst v63  }
0x21: {  	_ =	swait.ge [sflag:s1], $0x8000  }
0x22: {  	[sflag:s1] =	ssyncset.done $0x0  }
0x23: {  	[sflag:s1] =	ssyncadd.s32 $0xFFFF8000  }
0x24: {  	_ =	swait.ge [sflag:s6], $0x8000  }
0x25: {  	s7 =	rddreg [dreg:$0xb]  }
0x26: {  	s23 =	rddreg [dreg:$0x7];
	s7 =	sadd.s32 $0x1, s7  }
0x27: {  	p1 =	sne.s32 s7, s23  }
.Ltmp1:
0x28: {  	_ = 	snop;
	(pc) =	sbr.rel @!p1 .LBB2_5-.Ltmp1, $3  }
0x29: {  	_ =	sdelay $0x1  }
0x2a: {  	[sflag:s6] =	ssyncset.done $0x0  }
0x2b: {  	[sflag:s6] =	ssyncadd.s32 $0xFFFF8000  }
.LBB2_1:
0x2c: {  	[dreg:$0xb] =	wrdreg s7  }
0x2d: {  	s7 =	rddreg [dreg:$0x1]  }
0x2e: {  	s4 =	simm.s32 @!p0 $0x1C07;
	s17 =	rddreg [dreg:$0xa]  }
0x2f: {  	[spmem:s17], [sflag:s4] =	dma.local @!p0 [hbm:s7], $0x110  }
0x30: {  	s4 =	simm.s32 @!p0 $0x7  }
0x31: {  	_ =	swait.ge @!p0 [sflag:s4], $0x110  }
0x32: {  	[sflag:s4] =	ssyncset.done @!p0 $0x0  }
0x33: {  	[sflag:s4] =	ssyncadd.s32 @!p0 $0xFFFFFEF0  }
0x34: {  	[bflag:$0x0] =	sbarrier.arrive $0xFFFF  }
0x35: {  	s18 =	simm.s32 $0x88;
	s17 =	rddreg [dreg:$0x5]  }
0x36: {  	[tilespmem:s18], [sflag:$0x1] =	stream.linear.gather [hbm4b:s17+s3], $0x400, $0x38;
	[tilespmem:$0x10888] =	vst v63  }
0x37: {  	s23 =	rddreg [dreg:$0x6]  }
0x38: {  	[tilespmem:s19], [sflag:$0x2] =	stream.linear.gather [hbm4b:s23+s3], $0x400, $0x38;
	[tilespmem:$0x10888] =	vst v63  }
0x39: {  	_ =	swait.ge [sflag:s20], $0x400  }
0x3a: {  	[sflag:s20] =	ssyncset.done $0x0  }
0x3b: {  	s7 =	simm.s32 $0x0;
	s4 =	rddreg [dreg:$0x9];
	[sflag:s20] =	ssyncadd.s32 $0xFFFFFC00  }
0x3c: {  	[tilespmem:s22], [sflag:$0x3] =	stream.indirect.gather [spmem:s2], $0x80, s18, s21, $0xb8;
	[tilespmem:$0x10888] =	vst v63  }
.LBB2_2:
0x3d: {  	s17 =	simm.s32 $0x108  }
0x3e: {  	[tilespmem:s24], [sflag:$0x4] =	stream.indirect.gather [spmem:s2], $0x80, s17, s21, $0xb8;
	[tilespmem:$0x10888] =	vst v63  }
0x3f: {  	_ =	swait.ge [sflag:s25], $0x4000  }
0x40: {  	p1 =	seq.s32 s7, $0x0;
	[sflag:s25] =	ssyncset.done $0x0  }
0x41: {  	s17 =	simm.s32 @!p1 $0x6;
	[sflag:s25] =	ssyncadd.s32 $0xFFFFC000  }
0x42: {  	_ =	swait.ge @!p1 [sflag:s17], $0x8000  }
0x43: {  	[sflag:s17] =	ssyncset.done @!p1 $0x0  }
0x44: {  	s23 =	simm.s32 $0x188;
	[sflag:s17] =	ssyncadd.s32 @!p1 $0xFFFF8000  }
0x45: {  	[tilespmem:s28], [sflag:$0x3] =	stream.indirect.gather [spmem:s2], $0x80, s23, s21, $0xb8;
	[tilespmem:$0x10888] =	vst v63  }
0x46: {  	_ =	swait.ge [sflag:s29], $0x4000  }
0x47: {  	[sflag:s29] =	ssyncset.done $0x0  }
0x48: {  	s18 =	sadd.s32 s7, s16;
	[sflag:s29] =	ssyncadd.s32 $0xFFFFC000  }
0x49: {  	[hbm4b:s18+s3] =	stream.linear.scatter [tilespmem:s22], [sflag:$0x5], $0x8000, $0x38;
	[tilespmem:$0x10888] =	vst v63  }
0x4a: {  	s23 =	simm.s32 $0x208  }
0x4b: {  	[tilespmem:s31], [sflag:$0x4] =	stream.indirect.gather [spmem:s2], $0x80, s23, s21, $0xb8;
	[tilespmem:$0x10888] =	vst v63  }
0x4c: {  	_ =	swait.ge [sflag:s25], $0x4000  }
0x4d: {  	[sflag:s25] =	ssyncset.done $0x0  }
0x4e: {  	[sflag:s25] =	ssyncadd.s32 $0xFFFFC000  }
0x4f: {  	_ =	swait.ge [sflag:s1], $0x8000  }
0x50: {  	[sflag:s1] =	ssyncset.done $0x0  }
0x51: {  	s18 =	simm.s32 $0x288;
	[sflag:s1] =	ssyncadd.s32 $0xFFFF8000  }
0x52: {  	[tilespmem:s22], [sflag:$0x3] =	stream.indirect.gather [spmem:s2], $0x80, s18, s21, $0xb8;
	[tilespmem:$0x10888] =	vst v63  }
0x53: {  	_ =	swait.ge [sflag:s29], $0x4000  }
0x54: {  	[sflag:s29] =	ssyncset.done $0x0  }
0x55: {  	s23 =	sadd.s32 s7, s15;
	[sflag:s29] =	ssyncadd.s32 $0xFFFFC000  }
0x56: {  	[hbm4b:s23+s3] =	stream.linear.scatter [tilespmem:s28], [sflag:$0x6], $0x8000, $0x38;
	[tilespmem:$0x10888] =	vst v63  }
0x57: {  	s18 =	simm.s32 $0x308  }
0x58: {  	[tilespmem:s24], [sflag:$0x4] =	stream.indirect.gather [spmem:s2], $0x80, s18, s21, $0xb8;
	[tilespmem:$0x10888] =	vst v63  }
0x59: {  	_ =	swait.ge [sflag:s25], $0x4000  }
0x5a: {  	[sflag:s25] =	ssyncset.done $0x0  }
0x5b: {  	[sflag:s25] =	ssyncadd.s32 $0xFFFFC000  }
0x5c: {  	_ =	swait.ge [sflag:s6], $0x8000  }
0x5d: {  	[sflag:s6] =	ssyncset.done $0x0  }
0x5e: {  	s23 =	simm.s32 $0x388;
	[sflag:s6] =	ssyncadd.s32 $0xFFFF8000  }
0x5f: {  	[tilespmem:s28], [sflag:$0x3] =	stream.indirect.gather [spmem:s2], $0x80, s23, s21, $0xb8;
	[tilespmem:$0x10888] =	vst v63  }
0x60: {  	_ =	swait.ge [sflag:s29], $0x4000  }
0x61: {  	[sflag:s29] =	ssyncset.done $0x0  }
0x62: {  	s18 =	sadd.s32 s7, s14;
	[sflag:s29] =	ssyncadd.s32 $0xFFFFC000  }
0x63: {  	[hbm4b:s18+s3] =	stream.linear.scatter [tilespmem:s22], [sflag:$0x5], $0x8000, $0x38;
	[tilespmem:$0x10888] =	vst v63  }
0x64: {  	s23 =	simm.s32 $0x408  }
0x65: {  	[tilespmem:s31], [sflag:$0x4] =	stream.indirect.gather [spmem:s2], $0x80, s23, s21, $0xb8;
	[tilespmem:$0x10888] =	vst v63  }
0x66: {  	_ =	swait.ge [sflag:s25], $0x4000  }
0x67: {  	[sflag:s25] =	ssyncset.done $0x0  }
0x68: {  	[sflag:s25] =	ssyncadd.s32 $0xFFFFC000  }
0x69: {  	_ =	swait.ge [sflag:s8], $0x400  }
0x6a: {  	[sflag:s8] =	ssyncset.done $0x0  }
0x6b: {  	[sflag:s8] =	ssyncadd.s32 $0xFFFFFC00  }
0x6c: {  	_ =	swait.ge [sflag:s1], $0x8000  }
0x6d: {  	[sflag:s1] =	ssyncset.done $0x0  }
0x6e: {  	[sflag:s1] =	ssyncadd.s32 $0xFFFF8000  }
0x6f: {  	[tilespmem:s22], [sflag:$0x3] =	stream.indirect.gather [spmem:s2], $0x80, s19, s21, $0xb8;
	[tilespmem:$0x10888] =	vst v63  }
0x70: {  	_ =	swait.ge [sflag:s29], $0x4000  }
0x71: {  	[sflag:s29] =	ssyncset.done $0x0  }
0x72: {  	p1 =	seq.s32 s7, $0x188000;
	s18 =	sadd.s32 s7, s13;
	[sflag:s29] =	ssyncadd.s32 $0xFFFFC000  }
0x73: {  	[hbm4b:s18+s3] =	stream.linear.scatter [tilespmem:s28], [sflag:$0x6], $0x8000, $0x38;
	[tilespmem:$0x10888] =	vst v63  }
0x74: {  	s17 =	sadd.s32 @!p1 $0xFFFFFF80, s4;
	s23 =	simm.s32 @!p1 $0x0;
	s18 =	simm.s32 @!p1 $0x88  }
0x75: {  	[tilespmem:s18], [sflag:$0x1] =	stream.linear.gather @!p1 [hbm4b:s17+s23], $0x400, $0x38;
	[tilespmem:$0x10888] =	vst v63  }
0x76: {  	s23 =	simm.s32 $0x508  }
0x77: {  	[tilespmem:s24], [sflag:$0x4] =	stream.indirect.gather [spmem:s2], $0x80, s23, s21, $0xb8;
	[tilespmem:$0x10888] =	vst v63  }
0x78: {  	_ =	swait.ge [sflag:s25], $0x4000  }
0x79: {  	[sflag:s25] =	ssyncset.done $0x0  }
0x7a: {  	[sflag:s25] =	ssyncadd.s32 $0xFFFFC000  }
0x7b: {  	_ =	swait.ge [sflag:s6], $0x8000  }
0x7c: {  	[sflag:s6] =	ssyncset.done $0x0  }
0x7d: {  	s18 =	simm.s32 $0x588;
	[sflag:s6] =	ssyncadd.s32 $0xFFFF8000  }
0x7e: {  	[tilespmem:s28], [sflag:$0x3] =	stream.indirect.gather [spmem:s2], $0x80, s18, s21, $0xb8;
	[tilespmem:$0x10888] =	vst v63  }
0x7f: {  	_ =	swait.ge [sflag:s29], $0x4000  }
0x80: {  	[sflag:s29] =	ssyncset.done $0x0  }
0x81: {  	s23 =	sadd.s32 s7, s12;
	[sflag:s29] =	ssyncadd.s32 $0xFFFFC000  }
0x82: {  	[hbm4b:s23+s3] =	stream.linear.scatter [tilespmem:s22], [sflag:$0x5], $0x8000, $0x38;
	[tilespmem:$0x10888] =	vst v63  }
0x83: {  	s18 =	simm.s32 $0x608  }
0x84: {  	[tilespmem:s31], [sflag:$0x4] =	stream.indirect.gather [spmem:s2], $0x80, s18, s21, $0xb8;
	[tilespmem:$0x10888] =	vst v63  }
0x85: {  	_ =	swait.ge [sflag:s25], $0x4000  }
0x86: {  	[sflag:s25] =	ssyncset.done $0x0  }
0x87: {  	[sflag:s25] =	ssyncadd.s32 $0xFFFFC000  }
0x88: {  	_ =	swait.ge [sflag:s1], $0x8000  }
0x89: {  	[sflag:s1] =	ssyncset.done $0x0  }
0x8a: {  	s23 =	simm.s32 $0x688;
	[sflag:s1] =	ssyncadd.s32 $0xFFFF8000  }
0x8b: {  	[tilespmem:s22], [sflag:$0x3] =	stream.indirect.gather [spmem:s2], $0x80, s23, s21, $0xb8;
	[tilespmem:$0x10888] =	vst v63  }
0x8c: {  	_ =	swait.ge [sflag:s29], $0x4000  }
0x8d: {  	[sflag:s29] =	ssyncset.done $0x0  }
0x8e: {  	s18 =	sadd.s32 s7, s11;
	[sflag:s29] =	ssyncadd.s32 $0xFFFFC000  }
0x8f: {  	[hbm4b:s18+s3] =	stream.linear.scatter [tilespmem:s28], [sflag:$0x6], $0x8000, $0x38;
	[tilespmem:$0x10888] =	vst v63  }
0x90: {  	_ = 	snop  }
0x91: {  	[tilespmem:s24], [sflag:$0x4] =	stream.indirect.gather [spmem:s2], $0x80, s30, s21, $0xb8;
	[tilespmem:$0x10888] =	vst v63  }
0x92: {  	_ =	swait.ge [sflag:s25], $0x4000  }
0x93: {  	[sflag:s25] =	ssyncset.done $0x0  }
0x94: {  	[sflag:s25] =	ssyncadd.s32 $0xFFFFC000  }
0x95: {  	_ =	swait.ge [sflag:s6], $0x8000  }
0x96: {  	[sflag:s6] =	ssyncset.done $0x0  }
0x97: {  	[sflag:s6] =	ssyncadd.s32 $0xFFFF8000  }
0x98: {  	[tilespmem:s28], [sflag:$0x3] =	stream.indirect.gather [spmem:s2], $0x80, s0, s21, $0xb8;
	[tilespmem:$0x10888] =	vst v63  }
0x99: {  	_ =	swait.ge [sflag:s29], $0x4000  }
0x9a: {  	[sflag:s29] =	ssyncset.done $0x0  }
0x9b: {  	s23 =	sadd.s32 s7, s10;
	[sflag:s29] =	ssyncadd.s32 $0xFFFFC000  }
0x9c: {  	[hbm4b:s23+s3] =	stream.linear.scatter [tilespmem:s22], [sflag:$0x5], $0x8000, $0x38;
	[tilespmem:$0x10888] =	vst v63  }
.Ltmp2:
0x9d: {  	_ = 	snop;
	(pc) =	sbr.rel @p1 .LBB2_4-.Ltmp2, $4  }
0x9e: {  	[tilespmem:s31], [sflag:$0x4] =	stream.indirect.gather [spmem:s2], $0x80, s5, s21, $0xb8;
	[tilespmem:$0x10888] =	vst v63  }
0x9f: {  	_ =	swait.ge [sflag:s25], $0x4000  }
0xa0: {  	[sflag:s25] =	ssyncset.done $0x0  }
0xa1: {  	[sflag:s25] =	ssyncadd.s32 $0xFFFFC000  }
0xa2: {  	_ =	swait.ge [sflag:s20], $0x400  }
0xa3: {  	[sflag:s20] =	ssyncset.done $0x0  }
0xa4: {  	[sflag:s20] =	ssyncadd.s32 $0xFFFFFC00  }
0xa5: {  	_ =	swait.ge [sflag:s1], $0x8000  }
0xa6: {  	[sflag:s1] =	ssyncset.done $0x0  }
0xa7: {  	[sflag:s1] =	ssyncadd.s32 $0xFFFF8000  }
0xa8: {  	[tilespmem:s22], [sflag:$0x3] =	stream.indirect.gather [spmem:s2], $0x80, s26, s21, $0xb8;
	[tilespmem:$0x10888] =	vst v63  }
0xa9: {  	_ =	swait.ge [sflag:s29], $0x4000  }
0xaa: {  	[sflag:s29] =	ssyncset.done $0x0  }
.Ltmp3:
0xab: {  	s17 =	sadd.s32 s7, s9;
	[sflag:s29] =	ssyncadd.s32 $0xFFFFC000;
	(pc) =	sbr.rel .LBB2_2-.Ltmp3, $4  }
0xac: {  	[hbm4b:s17+s3] =	stream.linear.scatter [tilespmem:s28], [sflag:$0x6], $0x8000, $0x38;
	[tilespmem:$0x10888] =	vst v63  }
0xad: {  	_ = 	snop  }
0xae: {  	[tilespmem:s19], [sflag:$0x2] =	stream.linear.gather [hbm4b:s4+s3], $0x400, $0x38;
	[tilespmem:$0x10888] =	vst v63  }
0xaf: {  	s7 =	sadd.s32 $0x8000, s7;
	s4 =	sadd.s32 $0x100, s4  }
.LBB2_5:
0xb0: {  	_ =	sfence.sel $0x180000  }
0xb1: {  	[bflag:$0x0] =	sbarrier.arrive $0xFFFF  }
0xb2: {  	_ =	strace $0x90000047  }
0xb3: {  	[bflag:$0x2] =	sbarrier.arrive $0xFFFF  }
0xb4: {  	s0 =	rddreg [dreg:$0x4]  }
0xb5: {  	s0 =	sadd.s32 @!p0 $0x100000, s0  }
0xb6: {  	[sflag:s0] =	ssyncadd.tile.s32 @!p0 $0x1;
	_ =	shalt  }
.Lfunc_end2:
_tile_overlayer_lowered:
.L_overlay_start_2:
0xb7: {  	(tag) =	ssettag $0x2  }
0xb8: {  	s0 =	rddreg [dreg:$0x0];
	s2 =	stileid.u32  }
0xb9: {  	s1 =	rddreg [dreg:$0x1];
	p0 =	sne.s32 s2, $0x0  }
0xba: {  	s3 =	rddreg [dreg:$0x2];
	[bflag:$0x3] =	sbarrier.arrive $0xFFFF;
	s2 =	simm.s32 @!p0 $0x1C07  }
0xbb: {  	[timem:s3], [sflag:s2] =	dma.local @!p0 [hbm:s0], s1  }
0xbc: {  	s0 =	simm.s32 @!p0 $0x7  }
0xbd: {  	_ =	swait.ge @!p0 [sflag:s0], s1  }
0xbe: {  	s1 =	ssub.s32 @!p0 $0x0, s1;
	[sflag:s0] =	ssyncset.done @!p0 $0x0  }
0xbf: {  	[sflag:s0] =	ssyncadd.s32 @!p0 s1  }
0xc0: {  	[bflag:$0x3] =	sbarrier.arrive $0xFFFF  }
0xc1: {  	_ =	shalt  }

</sc_bundles>
